<compile_context>
chip_gen: v7x
topology: tpu7x:2x2x1
jax: 0.10.2.dev20260603
libtpu: 0.0.44.dev20260713+nightly
codegen_flags: <defaults>
</compile_context>

<pallas_src>
import jax
import jax.numpy as jnp
from jax.experimental import pallas as pl

KNN = 20
GRID = 32
PADDING = 0.1
LATENT = 128


def _leaky(x):
    return jnp.where(x >= 0, x, 0.2 * x)


def _bn2(x, g, b):
    m = jnp.mean(x, axis=(0, 2, 3), keepdims=True)
    v = jnp.var(x, axis=(0, 2, 3), keepdims=True)
    return (x - m) / jnp.sqrt(v + 1e-5) * g.reshape(1, -1, 1, 1) + b.reshape(1, -1, 1, 1)


def _bn1(x, g, b):
    m = jnp.mean(x, axis=(0, 2), keepdims=True)
    v = jnp.var(x, axis=(0, 2), keepdims=True)
    return (x - m) / jnp.sqrt(v + 1e-5) * g.reshape(1, -1, 1) + b.reshape(1, -1, 1)


def _conv2(x, W, g, b):
    return _leaky(_bn2(jnp.einsum('oc,bcnk->bonk', W, x), g, b))


def _conv1(x, W, g, b):
    return _leaky(_bn1(jnp.einsum('oc,bcn->bon', W, x), g, b))


_KNN_ROWS = 512
_KNN_KPAD = 32


def _knn_kernel(xr_ref, xf_ref, o_ref):
    xr = xr_ref[0]
    xf = xf_ref[0]
    n = xf.shape[0]
    s = 2.0 * jax.lax.dot_general(
        xr, xf, (((1,), (1,)), ((), ())),
        preferred_element_type=jnp.float32)
    s = s - jnp.sum(xf * xf, axis=1)[None, :]
    col = jax.lax.broadcasted_iota(jnp.int32, s.shape, 1)
    neg = jnp.float32(-jnp.inf)

    def body(k, s):
        arg = jnp.argmax(s, axis=1).astype(jnp.int32)
        o_ref[0, k, :] = arg
        return jnp.where(col == arg[:, None], neg, s)

    s = jax.lax.fori_loop(0, KNN, body, s)
    for k in range(KNN, _KNN_KPAD):
        o_ref[0, k, :] = jnp.zeros((xr.shape[0],), jnp.int32)


def _knn_idx(x):
    B, C, N = x.shape
    xt = jnp.transpose(x, (0, 2, 1))
    R = _KNN_ROWS
    out = pl.pallas_call(
        _knn_kernel,
        grid=(B, N // R),
        in_specs=[
            pl.BlockSpec((1, R, C), lambda b, r: (b, r, 0)),
            pl.BlockSpec((1, N, C), lambda b, r: (b, 0, 0)),
        ],
        out_specs=pl.BlockSpec((1, _KNN_KPAD, R), lambda b, r: (b, 0, r)),
        out_shape=jax.ShapeDtypeStruct((B, _KNN_KPAD, N), jnp.int32),
    )(xt, xt)
    return jnp.transpose(out[:, :KNN, :], (0, 2, 1))


def _graph_feature(x):
    B, C, N = x.shape
    idx = _knn_idx(x) + (jnp.arange(B) * N).reshape(B, 1, 1)
    xt = jnp.transpose(x, (0, 2, 1)).reshape(B * N, C)
    feat = jnp.take(xt, idx.reshape(-1), axis=0).reshape(B, N, KNN, C)
    xr = xt.reshape(B, N, 1, C)
    out = jnp.concatenate([feat - xr, jnp.broadcast_to(xr, (B, N, KNN, C))], axis=3)
    return jnp.transpose(out, (0, 3, 1, 2))


def _div_kernel(s_ref, c_ref, o_ref):
    o_ref[...] = s_ref[...] / jnp.maximum(c_ref[...], 1.0)


def kernel(cloud, W0, g0, b0, W1, g1, b1, W2, g2, b2, W3, g3, b3, W4, g4, b4, W5, g5, b5, W6, g6, b6, W7, g7, b7):
    B, N, _ = cloud.shape
    x = jnp.transpose(cloud, (0, 2, 1))
    f = _conv2(_conv2(_graph_feature(x), W0, g0, b0), W1, g1, b1)
    f1 = jnp.max(f, axis=-1)
    f = _conv2(_conv2(_graph_feature(f1), W2, g2, b2), W3, g3, b3)
    f2 = jnp.max(f, axis=-1)
    f = _conv2(_graph_feature(f2), W4, g4, b4)
    f3 = jnp.max(f, axis=-1)
    cat = jnp.concatenate([f1, f2, f3], axis=1)
    emb = _conv1(cat, W5, g5, b5)
    gmax = jnp.max(emb, axis=-1, keepdims=True)
    gmax = jnp.broadcast_to(gmax, (B, gmax.shape[1], N))
    f = _conv1(jnp.concatenate([gmax, f1, f2, f3], axis=1), W6, g6, b6)
    f = _conv1(f, W7, g7, b7)
    feats = jnp.transpose(f, (0, 2, 1))
    p = jnp.clip(cloud / (1.0 + PADDING + 0.001) + 0.5, 0.0, 1.0 - 0.001)
    c = (p * GRID).astype(jnp.int32)
    idx = c[:, :, 0] + GRID * (c[:, :, 1] + GRID * c[:, :, 2])

    def scat(fb, ib):
        sums = jax.ops.segment_sum(fb, ib, num_segments=GRID ** 3)
        cnt = jax.ops.segment_sum(jnp.ones((fb.shape[0],), fb.dtype), ib, num_segments=GRID ** 3)
        return sums, cnt

    sums, cnt = jax.vmap(scat)(feats, idx)
    grid = pl.pallas_call(
        _div_kernel,
        grid=(B, 8),
        in_specs=[
            pl.BlockSpec((1, GRID ** 3 // 8, LATENT), lambda b, s: (b, s, 0)),
            pl.BlockSpec((1, GRID ** 3 // 8, LATENT), lambda b, s: (b, s, 0)),
        ],
        out_specs=pl.BlockSpec((1, GRID ** 3 // 8, LATENT), lambda b, s: (b, s, 0)),
        out_shape=jax.ShapeDtypeStruct((B, GRID ** 3, LATENT), jnp.float32),
    )(sums, jnp.broadcast_to(cnt[:, :, None], sums.shape))
    return jnp.transpose(grid, (0, 2, 1)).reshape(B, LATENT, GRID, GRID, GRID)

# --- scband reference (transcript-rebuilt; emitter-appended) ---
"""Pipeline reference for scband-dgcnn-59682865545780 (READ-ONLY COPY).

The authoritative reference and input builder live on the scoring server;
editing this copy changes nothing except your own understanding.
"""

import jax, jax.numpy as jnp
import numpy as np

KNN = 20
GRID = 32
PADDING = 0.1
LATENT = 128


def leaky(x):
    return jnp.where(x >= 0, x, 0.2 * x)


def bn2(x, g, b):
    m = jnp.mean(x, axis=(0, 2, 3), keepdims=True)
    v = jnp.var(x, axis=(0, 2, 3), keepdims=True)
    return (x - m) / jnp.sqrt(v + 1e-5) * g.reshape(1, -1, 1, 1) + b.reshape(1, -1, 1, 1)


def bn1(x, g, b):
    m = jnp.mean(x, axis=(0, 2), keepdims=True)
    v = jnp.var(x, axis=(0, 2), keepdims=True)
    return (x - m) / jnp.sqrt(v + 1e-5) * g.reshape(1, -1, 1) + b.reshape(1, -1, 1)


def conv2(x, W, g, b):
    return leaky(bn2(jnp.einsum('oc,bcnk->bonk', W, x), g, b))


def conv1(x, W, g, b):
    return leaky(bn1(jnp.einsum('oc,bcn->bon', W, x), g, b))


def knn_idx(x):
    # x: [B, C, N]
    inner = -2.0 * jnp.einsum('bcn,bcm->bnm', x, x)
    xx = jnp.sum(x ** 2, axis=1, keepdims=True)  # [B,1,N]
    pd = -xx - inner - jnp.transpose(xx, (0, 2, 1))
    return jax.lax.top_k(pd, KNN)[1]  # [B,N,K]


def graph_feature(x):
    # x: [B, C, N] -> [B, 2C, N, K]
    B, C, N = x.shape
    idx = knn_idx(x) + (jnp.arange(B) * N).reshape(B, 1, 1)
    xt = jnp.transpose(x, (0, 2, 1)).reshape(B * N, C)
    feat = jnp.take(xt, idx.reshape(-1), axis=0).reshape(B, N, KNN, C)
    xr = xt.reshape(B, N, 1, C)
    out = jnp.concatenate([feat - xr, jnp.broadcast_to(xr, (B, N, KNN, C))], axis=3)
    return jnp.transpose(out, (0, 3, 1, 2))


def forward(cloud, W0, g0, b0, W1, g1, b1, W2, g2, b2, W3, g3, b3, W4, g4, b4, W5, g5, b5, W6, g6, b6, W7, g7, b7):
    B, N, _ = cloud.shape
    x = jnp.transpose(cloud, (0, 2, 1))  # [B,3,N]
    f = conv2(conv2(graph_feature(x), W0, g0, b0), W1, g1, b1)
    f1 = jnp.max(f, axis=-1)  # [B,64,N]
    f = conv2(conv2(graph_feature(f1), W2, g2, b2), W3, g3, b3)
    f2 = jnp.max(f, axis=-1)
    f = conv2(graph_feature(f2), W4, g4, b4)
    f3 = jnp.max(f, axis=-1)
    cat = jnp.concatenate([f1, f2, f3], axis=1)  # [B,192,N]
    emb = conv1(cat, W5, g5, b5)  # [B,1024,N]
    gmax = jnp.max(emb, axis=-1, keepdims=True)
    gmax = jnp.broadcast_to(gmax, (B, gmax.shape[1], N))
    f = conv1(jnp.concatenate([gmax, f1, f2, f3], axis=1), W6, g6, b6)
    f = conv1(f, W7, g7, b7)  # [B,128,N]
    feats = jnp.transpose(f, (0, 2, 1))  # [B,N,128]
    # normalize coords to unit cube and voxelize
    p = jnp.clip(cloud / (1.0 + PADDING + 0.001) + 0.5, 0.0, 1.0 - 0.001)
    c = (p * GRID).astype(jnp.int32)
    idx = c[:, :, 0] + GRID * (c[:, :, 1] + GRID * c[:, :, 2])  # [B,N]

    def scat(fb, ib):
        sums = jax.ops.segment_sum(fb, ib, num_segments=GRID ** 3)
        cnt = jax.ops.segment_sum(jnp.ones((fb.shape[0],), fb.dtype), ib, num_segments=GRID ** 3)
        return sums / jnp.maximum(cnt, 1.0)[:, None]

    grid = jax.vmap(scat)(feats, idx)  # [B,32768,128]
    return jnp.transpose(grid, (0, 2, 1)).reshape(B, LATENT, GRID, GRID, GRID)


def setup_inputs(seed: int = 0):
    key = jax.random.key(seed)
    ks = jax.random.split(key, 30)
    B, N = 2, 4096

    def w(k, o, i):
        return (jax.random.normal(k, (o, i), dtype=jnp.float32) / np.sqrt(i)).astype(jnp.float32)

    d = {"cloud": jax.random.normal(ks[0], (B, N, 3), dtype=jnp.float32)}
    dims = [(64, 6), (64, 64), (64, 128), (64, 64), (64, 128), (1024, 192), (512, 1216), (128, 512)]
    for i, (o, c) in enumerate(dims):
        d["W%d" % i] = w(ks[i + 1], o, c)
        d["g%d" % i] = jnp.ones((o,), jnp.float32)
        d["b%d" % i] = jnp.zeros((o,), jnp.float32)
    return d


def reference(cloud, W0, g0, b0, W1, g1, b1, W2, g2, b2, W3, g3, b3, W4, g4, b4, W5, g5, b5, W6, g6, b6, W7, g7, b7):
    return forward(cloud, W0, g0, b0, W1, g1, b1, W2, g2, b2, W3, g3, b3, W4, g4, b4, W5, g5, b5, W6, g6, b6, W7, g7, b7)

if __name__ == "__main__":
    import jax
    _d = setup_inputs()
    print(jax.jit(kernel)(*tuple(_d.values())))

</pallas_src>

<mosaic_0001>
module attributes {stable_mosaic.version = 14 : i64} {
  func.func @_knn_kernel(%arg0: i32, %arg1: i32, %arg2: memref<1x512x3xf32, #tpu.memory_space<vmem>>, %arg3: memref<1x4096x3xf32, #tpu.memory_space<vmem>>, %arg4: memref<1x32x512xi32, #tpu.memory_space<vmem>>) attributes {dimension_semantics = [#tpu.dimension_semantics<arbitrary>, #tpu.dimension_semantics<arbitrary>], iteration_bounds = array<i64: 2, 8>, scalar_prefetch = 0 : i64, scratch_operands = 0 : i64, tpu.core_type = #tpu.core_type<tc>, window_params = [{transform_indices = @transform_0, window_bounds = array<i64: 1, 512, 3>}, {transform_indices = @transform_1, window_bounds = array<i64: 1, 4096, 3>}, {transform_indices = @transform_2, window_bounds = array<i64: 1, 32, 512>}]} {
    %get3A = arith.constant 0 : index
    %get3A_0 = arith.constant 0 : index
    %get3A_1 = arith.constant 0 : index
    %get3A_2 = vector.load %arg2[%get3A, %get3A_0, %get3A_1] : memref<1x512x3xf32, #tpu.memory_space<vmem>>, vector<1x512x3xf32>
    %get3A_3 = vector.shape_cast %get3A_2 : vector<1x512x3xf32> to vector<512x3xf32>
    %get3A_4 = arith.constant 0 : index
    %get3A_5 = arith.constant 0 : index
    %get3A_6 = arith.constant 0 : index
    %get3A_7 = vector.load %arg3[%get3A_4, %get3A_5, %get3A_6] : memref<1x4096x3xf32, #tpu.memory_space<vmem>>, vector<1x4096x3xf32>
    %get3A_8 = vector.shape_cast %get3A_7 : vector<1x4096x3xf32> to vector<4096x3xf32>
    %dot_general3A = arith.constant dense<0.000000e+00> : vector<512x4096xf32>
    %dot_general3A_9 = tpu.matmul %get3A_3, %get3A_8, %dot_general3A {dimension_numbers = #tpu.dot_dimension_numbers<[1], [1], [0], [0], [0, 0, 1, 0], [], []>, transpose_lhs_hint = false} : vector<512x3xf32>, vector<4096x3xf32>, vector<512x4096xf32> -> vector<512x4096xf32>
    %mul3A = arith.constant 2.000000e+00 : f32
    %mul3A_10 = vector.broadcast %mul3A : f32 to vector<512x4096xf32>
    %mul3A_11 = arith.mulf %mul3A_10, %dot_general3A_9 : vector<512x4096xf32>
    %mul3A_12 = arith.mulf %get3A_8, %get3A_8 : vector<4096x3xf32>
    %reduce_sum3A = arith.constant dense<0.000000e+00> : vector<4096xf32>
    %reduce_sum3A_13 = vector.multi_reduction <add>, %mul3A_12, %reduce_sum3A [1] : vector<4096x3xf32> to vector<4096xf32>
    %broadcast_in_dim3A = vector.shape_cast %reduce_sum3A_13 : vector<4096xf32> to vector<1x4096xf32>
    %sub3A = vector.broadcast %broadcast_in_dim3A : vector<1x4096xf32> to vector<512x4096xf32>
    %sub3A_14 = arith.subf %mul3A_11, %sub3A : vector<512x4096xf32>
    %iota3A = tpu.iota {dimensions = array<i32: 1>} : vector<512x4096xi32>
    %scan3A = arith.constant 0xFF800000 : f32
    %scan3A_15 = arith.constant 0 : i32
    %scan3A_16 = arith.constant 20 : i32
    %scan3A_17 = arith.addi %scan3A_15, %scan3A_16 : i32
    %scan3A_18 = arith.constant 1 : i32
    %scan3A_19 = scf.for %scan3A_116 = %scan3A_15 to %scan3A_17 step %scan3A_18 iter_args(%scan3A_117 = %sub3A_14) -> (vector<512x4096xf32>)  : i32 {
      %argmax3A = tpu.reduce_index %scan3A_117 {axis = 1 : i32, kind = #tpu.reduction_kind<arg_max>} : vector<512x4096xf32> -> vector<512xi32>
      %swap3A_118 = arith.constant 0 : index
      %swap3A_119 = arith.index_cast %scan3A_116 : i32 to index
      %swap3A_120 = arith.constant 0 : index
      %swap3A_121 = vector.load %arg4[%swap3A_118, %swap3A_119, %swap3A_120] : memref<1x32x512xi32, #tpu.memory_space<vmem>>, vector<1x1x512xi32>
      %swap3A_122 = vector.shape_cast %swap3A_121 : vector<1x1x512xi32> to vector<512xi32>
      %swap3A_123 = vector.shape_cast %argmax3A : vector<512xi32> to vector<1x1x512xi32>
      tpu.vector_store %arg4[%swap3A_118, %swap3A_119, %swap3A_120], %swap3A_123 {strides = array<i32>} : memref<1x32x512xi32, #tpu.memory_space<vmem>>, vector<1x1x512xi32>,
      %broadcast_in_dim3A_124 = vector.shape_cast %argmax3A : vector<512xi32> to vector<512x1xi32>
      %eq3A = vector.broadcast %broadcast_in_dim3A_124 : vector<512x1xi32> to vector<512x4096xi32>
      %eq3A_125 = arith.cmpi eq, %iota3A, %eq3A : vector<512x4096xi32>
      %broadcast_in_dim3A_126 = vector.broadcast %scan3A : f32 to vector<512x4096xf32>
      %select_n3A = arith.select %eq3A_125, %broadcast_in_dim3A_126, %scan3A_117 : vector<512x4096xi1>, vector<512x4096xf32>
      scf.yield %select_n3A : vector<512x4096xf32>
    }
    %scan3A_20 = arith.constant 20 : i32
    %broadcast_in_dim3A_21 = arith.constant 0 : i32
    %broadcast_in_dim3A_22 = vector.broadcast %broadcast_in_dim3A_21 : i32 to vector<512xi32>
    %swap3A = arith.constant 0 : index
    %swap3A_23 = arith.constant 20 : index
    %swap3A_24 = arith.constant 0 : index
    %swap3A_25 = vector.load %arg4[%swap3A, %swap3A_23, %swap3A_24] : memref<1x32x512xi32, #tpu.memory_space<vmem>>, vector<1x1x512xi32>
    %swap3A_26 = vector.shape_cast %swap3A_25 : vector<1x1x512xi32> to vector<512xi32>
    %swap3A_27 = vector.shape_cast %broadcast_in_dim3A_22 : vector<512xi32> to vector<1x1x512xi32>
    tpu.vector_store %arg4[%swap3A, %swap3A_23, %swap3A_24], %swap3A_27 {strides = array<i32>} : memref<1x32x512xi32, #tpu.memory_space<vmem>>, vector<1x1x512xi32>,
    %broadcast_in_dim3A_28 = arith.constant 0 : i32
    %broadcast_in_dim3A_29 = vector.broadcast %broadcast_in_dim3A_28 : i32 to vector<512xi32>
    %swap3A_30 = arith.constant 0 : index
    %swap3A_31 = arith.constant 21 : index
    %swap3A_32 = arith.constant 0 : index
    %swap3A_33 = vector.load %arg4[%swap3A_30, %swap3A_31, %swap3A_32] : memref<1x32x512xi32, #tpu.memory_space<vmem>>, vector<1x1x512xi32>
    %swap3A_34 = vector.shape_cast %swap3A_33 : vector<1x1x512xi32> to vector<512xi32>
    %swap3A_35 = vector.shape_cast %broadcast_in_dim3A_29 : vector<512xi32> to vector<1x1x512xi32>
    tpu.vector_store %arg4[%swap3A_30, %swap3A_31, %swap3A_32], %swap3A_35 {strides = array<i32>} : memref<1x32x512xi32, #tpu.memory_space<vmem>>, vector<1x1x512xi32>,
    %broadcast_in_dim3A_36 = arith.constant 0 : i32
    %broadcast_in_dim3A_37 = vector.broadcast %broadcast_in_dim3A_36 : i32 to vector<512xi32>
    %swap3A_38 = arith.constant 0 : index
    %swap3A_39 = arith.constant 22 : index
    %swap3A_40 = arith.constant 0 : index
    %swap3A_41 = vector.load %arg4[%swap3A_38, %swap3A_39, %swap3A_40] : memref<1x32x512xi32, #tpu.memory_space<vmem>>, vector<1x1x512xi32>
    %swap3A_42 = vector.shape_cast %swap3A_41 : vector<1x1x512xi32> to vector<512xi32>
    %swap3A_43 = vector.shape_cast %broadcast_in_dim3A_37 : vector<512xi32> to vector<1x1x512xi32>
    tpu.vector_store %arg4[%swap3A_38, %swap3A_39, %swap3A_40], %swap3A_43 {strides = array<i32>} : memref<1x32x512xi32, #tpu.memory_space<vmem>>, vector<1x1x512xi32>,
    %broadcast_in_dim3A_44 = arith.constant 0 : i32
    %broadcast_in_dim3A_45 = vector.broadcast %broadcast_in_dim3A_44 : i32 to vector<512xi32>
    %swap3A_46 = arith.constant 0 : index
    %swap3A_47 = arith.constant 23 : index
    %swap3A_48 = arith.constant 0 : index
    %swap3A_49 = vector.load %arg4[%swap3A_46, %swap3A_47, %swap3A_48] : memref<1x32x512xi32, #tpu.memory_space<vmem>>, vector<1x1x512xi32>
    %swap3A_50 = vector.shape_cast %swap3A_49 : vector<1x1x512xi32> to vector<512xi32>
    %swap3A_51 = vector.shape_cast %broadcast_in_dim3A_45 : vector<512xi32> to vector<1x1x512xi32>
    tpu.vector_store %arg4[%swap3A_46, %swap3A_47, %swap3A_48], %swap3A_51 {strides = array<i32>} : memref<1x32x512xi32, #tpu.memory_space<vmem>>, vector<1x1x512xi32>,
    %broadcast_in_dim3A_52 = arith.constant 0 : i32
    %broadcast_in_dim3A_53 = vector.broadcast %broadcast_in_dim3A_52 : i32 to vector<512xi32>
    %swap3A_54 = arith.constant 0 : index
    %swap3A_55 = arith.constant 24 : index
    %swap3A_56 = arith.constant 0 : index
    %swap3A_57 = vector.load %arg4[%swap3A_54, %swap3A_55, %swap3A_56] : memref<1x32x512xi32, #tpu.memory_space<vmem>>, vector<1x1x512xi32>
    %swap3A_58 = vector.shape_cast %swap3A_57 : vector<1x1x512xi32> to vector<512xi32>
    %swap3A_59 = vector.shape_cast %broadcast_in_dim3A_53 : vector<512xi32> to vector<1x1x512xi32>
    tpu.vector_store %arg4[%swap3A_54, %swap3A_55, %swap3A_56], %swap3A_59 {strides = array<i32>} : memref<1x32x512xi32, #tpu.memory_space<vmem>>, vector<1x1x512xi32>,
    %broadcast_in_dim3A_60 = arith.constant 0 : i32
    %broadcast_in_dim3A_61 = vector.broadcast %broadcast_in_dim3A_60 : i32 to vector<512xi32>
    %swap3A_62 = arith.constant 0 : index
    %swap3A_63 = arith.constant 25 : index
    %swap3A_64 = arith.constant 0 : index
    %swap3A_65 = vector.load %arg4[%swap3A_62, %swap3A_63, %swap3A_64] : memref<1x32x512xi32, #tpu.memory_space<vmem>>, vector<1x1x512xi32>
    %swap3A_66 = vector.shape_cast %swap3A_65 : vector<1x1x512xi32> to vector<512xi32>
    %swap3A_67 = vector.shape_cast %broadcast_in_dim3A_61 : vector<512xi32> to vector<1x1x512xi32>
    tpu.vector_store %arg4[%swap3A_62, %swap3A_63, %swap3A_64], %swap3A_67 {strides = array<i32>} : memref<1x32x512xi32, #tpu.memory_space<vmem>>, vector<1x1x512xi32>,
    %broadcast_in_dim3A_68 = arith.constant 0 : i32
    %broadcast_in_dim3A_69 = vector.broadcast %broadcast_in_dim3A_68 : i32 to vector<512xi32>
    %swap3A_70 = arith.constant 0 : index
    %swap3A_71 = arith.constant 26 : index
    %swap3A_72 = arith.constant 0 : index
    %swap3A_73 = vector.load %arg4[%swap3A_70, %swap3A_71, %swap3A_72] : memref<1x32x512xi32, #tpu.memory_space<vmem>>, vector<1x1x512xi32>
    %swap3A_74 = vector.shape_cast %swap3A_73 : vector<1x1x512xi32> to vector<512xi32>
    %swap3A_75 = vector.shape_cast %broadcast_in_dim3A_69 : vector<512xi32> to vector<1x1x512xi32>
    tpu.vector_store %arg4[%swap3A_70, %swap3A_71, %swap3A_72], %swap3A_75 {strides = array<i32>} : memref<1x32x512xi32, #tpu.memory_space<vmem>>, vector<1x1x512xi32>,
    %broadcast_in_dim3A_76 = arith.constant 0 : i32
    %broadcast_in_dim3A_77 = vector.broadcast %broadcast_in_dim3A_76 : i32 to vector<512xi32>
    %swap3A_78 = arith.constant 0 : index
    %swap3A_79 = arith.constant 27 : index
    %swap3A_80 = arith.constant 0 : index
    %swap3A_81 = vector.load %arg4[%swap3A_78, %swap3A_79, %swap3A_80] : memref<1x32x512xi32, #tpu.memory_space<vmem>>, vector<1x1x512xi32>
    %swap3A_82 = vector.shape_cast %swap3A_81 : vector<1x1x512xi32> to vector<512xi32>
    %swap3A_83 = vector.shape_cast %broadcast_in_dim3A_77 : vector<512xi32> to vector<1x1x512xi32>
    tpu.vector_store %arg4[%swap3A_78, %swap3A_79, %swap3A_80], %swap3A_83 {strides = array<i32>} : memref<1x32x512xi32, #tpu.memory_space<vmem>>, vector<1x1x512xi32>,
    %broadcast_in_dim3A_84 = arith.constant 0 : i32
    %broadcast_in_dim3A_85 = vector.broadcast %broadcast_in_dim3A_84 : i32 to vector<512xi32>
    %swap3A_86 = arith.constant 0 : index
    %swap3A_87 = arith.constant 28 : index
    %swap3A_88 = arith.constant 0 : index
    %swap3A_89 = vector.load %arg4[%swap3A_86, %swap3A_87, %swap3A_88] : memref<1x32x512xi32, #tpu.memory_space<vmem>>, vector<1x1x512xi32>
    %swap3A_90 = vector.shape_cast %swap3A_89 : vector<1x1x512xi32> to vector<512xi32>
    %swap3A_91 = vector.shape_cast %broadcast_in_dim3A_85 : vector<512xi32> to vector<1x1x512xi32>
    tpu.vector_store %arg4[%swap3A_86, %swap3A_87, %swap3A_88], %swap3A_91 {strides = array<i32>} : memref<1x32x512xi32, #tpu.memory_space<vmem>>, vector<1x1x512xi32>,
    %broadcast_in_dim3A_92 = arith.constant 0 : i32
    %broadcast_in_dim3A_93 = vector.broadcast %broadcast_in_dim3A_92 : i32 to vector<512xi32>
    %swap3A_94 = arith.constant 0 : index
    %swap3A_95 = arith.constant 29 : index
    %swap3A_96 = arith.constant 0 : index
    %swap3A_97 = vector.load %arg4[%swap3A_94, %swap3A_95, %swap3A_96] : memref<1x32x512xi32, #tpu.memory_space<vmem>>, vector<1x1x512xi32>
    %swap3A_98 = vector.shape_cast %swap3A_97 : vector<1x1x512xi32> to vector<512xi32>
    %swap3A_99 = vector.shape_cast %broadcast_in_dim3A_93 : vector<512xi32> to vector<1x1x512xi32>
    tpu.vector_store %arg4[%swap3A_94, %swap3A_95, %swap3A_96], %swap3A_99 {strides = array<i32>} : memref<1x32x512xi32, #tpu.memory_space<vmem>>, vector<1x1x512xi32>,
    %broadcast_in_dim3A_100 = arith.constant 0 : i32
    %broadcast_in_dim3A_101 = vector.broadcast %broadcast_in_dim3A_100 : i32 to vector<512xi32>
    %swap3A_102 = arith.constant 0 : index
    %swap3A_103 = arith.constant 30 : index
    %swap3A_104 = arith.constant 0 : index
    %swap3A_105 = vector.load %arg4[%swap3A_102, %swap3A_103, %swap3A_104] : memref<1x32x512xi32, #tpu.memory_space<vmem>>, vector<1x1x512xi32>
    %swap3A_106 = vector.shape_cast %swap3A_105 : vector<1x1x512xi32> to vector<512xi32>
    %swap3A_107 = vector.shape_cast %broadcast_in_dim3A_101 : vector<512xi32> to vector<1x1x512xi32>
    tpu.vector_store %arg4[%swap3A_102, %swap3A_103, %swap3A_104], %swap3A_107 {strides = array<i32>} : memref<1x32x512xi32, #tpu.memory_space<vmem>>, vector<1x1x512xi32>,
    %broadcast_in_dim3A_108 = arith.constant 0 : i32
    %broadcast_in_dim3A_109 = vector.broadcast %broadcast_in_dim3A_108 : i32 to vector<512xi32>
    %swap3A_110 = arith.constant 0 : index
    %swap3A_111 = arith.constant 31 : index
    %swap3A_112 = arith.constant 0 : index
    %swap3A_113 = vector.load %arg4[%swap3A_110, %swap3A_111, %swap3A_112] : memref<1x32x512xi32, #tpu.memory_space<vmem>>, vector<1x1x512xi32>
    %swap3A_114 = vector.shape_cast %swap3A_113 : vector<1x1x512xi32> to vector<512xi32>
    %swap3A_115 = vector.shape_cast %broadcast_in_dim3A_109 : vector<512xi32> to vector<1x1x512xi32>
    tpu.vector_store %arg4[%swap3A_110, %swap3A_111, %swap3A_112], %swap3A_115 {strides = array<i32>} : memref<1x32x512xi32, #tpu.memory_space<vmem>>, vector<1x1x512xi32>,
    return
  }
  func.func @transform_0(%arg0: i32, %arg1: i32) -> (i32, i32, i32) {
    %c0_i32 = arith.constant 0 : i32
    %c0_i32_0 = arith.constant 0 : i32
    return %arg0, %arg1, %c0_i32 : i32, i32, i32
  }
  func.func @transform_1(%arg0: i32, %arg1: i32) -> (i32, i32, i32) {
    %c0_i32 = arith.constant 0 : i32
    %c0_i32_0 = arith.constant 0 : i32
    %c0_i32_1 = arith.constant 0 : i32
    return %arg0, %c0_i32, %c0_i32_0 : i32, i32, i32
  }
  func.func @transform_2(%arg0: i32, %arg1: i32) -> (i32, i32, i32) {
    %c0_i32 = arith.constant 0 : i32
    %c0_i32_0 = arith.constant 0 : i32
    return %arg0, %c0_i32, %arg1 : i32, i32, i32
  }
}

module attributes {stable_mosaic.version = 14 : i64} {
  func.func @_knn_kernel(%arg0: i32, %arg1: i32, %arg2: memref<1x512x64xf32, #tpu.memory_space<vmem>>, %arg3: memref<1x4096x64xf32, #tpu.memory_space<vmem>>, %arg4: memref<1x32x512xi32, #tpu.memory_space<vmem>>) attributes {dimension_semantics = [#tpu.dimension_semantics<arbitrary>, #tpu.dimension_semantics<arbitrary>], iteration_bounds = array<i64: 2, 8>, scalar_prefetch = 0 : i64, scratch_operands = 0 : i64, tpu.core_type = #tpu.core_type<tc>, window_params = [{transform_indices = @transform_0, window_bounds = array<i64: 1, 512, 64>}, {transform_indices = @transform_1, window_bounds = array<i64: 1, 4096, 64>}, {transform_indices = @transform_2, window_bounds = array<i64: 1, 32, 512>}]} {
    %get3A = arith.constant 0 : index
    %get3A_0 = arith.constant 0 : index
    %get3A_1 = arith.constant 0 : index
    %get3A_2 = vector.load %arg2[%get3A, %get3A_0, %get3A_1] : memref<1x512x64xf32, #tpu.memory_space<vmem>>, vector<1x512x64xf32>
    %get3A_3 = vector.shape_cast %get3A_2 : vector<1x512x64xf32> to vector<512x64xf32>
    %get3A_4 = arith.constant 0 : index
    %get3A_5 = arith.constant 0 : index
    %get3A_6 = arith.constant 0 : index
    %get3A_7 = vector.load %arg3[%get3A_4, %get3A_5, %get3A_6] : memref<1x4096x64xf32, #tpu.memory_space<vmem>>, vector<1x4096x64xf32>
    %get3A_8 = vector.shape_cast %get3A_7 : vector<1x4096x64xf32> to vector<4096x64xf32>
    %dot_general3A = arith.constant dense<0.000000e+00> : vector<512x4096xf32>
    %dot_general3A_9 = tpu.matmul %get3A_3, %get3A_8, %dot_general3A {dimension_numbers = #tpu.dot_dimension_numbers<[1], [1], [0], [0], [0, 0, 1, 0], [], []>, transpose_lhs_hint = false} : vector<512x64xf32>, vector<4096x64xf32>, vector<512x4096xf32> -> vector<512x4096xf32>
    %mul3A = arith.constant 2.000000e+00 : f32
    %mul3A_10 = vector.broadcast %mul3A : f32 to vector<512x4096xf32>
    %mul3A_11 = arith.mulf %mul3A_10, %dot_general3A_9 : vector<512x4096xf32>
    %mul3A_12 = arith.mulf %get3A_8, %get3A_8 : vector<4096x64xf32>
    %reduce_sum3A = arith.constant dense<0.000000e+00> : vector<4096xf32>
    %reduce_sum3A_13 = vector.multi_reduction <add>, %mul3A_12, %reduce_sum3A [1] : vector<4096x64xf32> to vector<4096xf32>
    %broadcast_in_dim3A = vector.shape_cast %reduce_sum3A_13 : vector<4096xf32> to vector<1x4096xf32>
    %sub3A = vector.broadcast %broadcast_in_dim3A : vector<1x4096xf32> to vector<512x4096xf32>
    %sub3A_14 = arith.subf %mul3A_11, %sub3A : vector<512x4096xf32>
    %iota3A = tpu.iota {dimensions = array<i32: 1>} : vector<512x4096xi32>
    %scan3A = arith.constant 0xFF800000 : f32
    %scan3A_15 = arith.constant 0 : i32
    %scan3A_16 = arith.constant 20 : i32
    %scan3A_17 = arith.addi %scan3A_15, %scan3A_16 : i32
    %scan3A_18 = arith.constant 1 : i32
    %scan3A_19 = scf.for %scan3A_116 = %scan3A_15 to %scan3A_17 step %scan3A_18 iter_args(%scan3A_117 = %sub3A_14) -> (vector<512x4096xf32>)  : i32 {
      %argmax3A = tpu.reduce_index %scan3A_117 {axis = 1 : i32, kind = #tpu.reduction_kind<arg_max>} : vector<512x4096xf32> -> vector<512xi32>
      %swap3A_118 = arith.constant 0 : index
      %swap3A_119 = arith.index_cast %scan3A_116 : i32 to index
      %swap3A_120 = arith.constant 0 : index
      %swap3A_121 = vector.load %arg4[%swap3A_118, %swap3A_119, %swap3A_120] : memref<1x32x512xi32, #tpu.memory_space<vmem>>, vector<1x1x512xi32>
      %swap3A_122 = vector.shape_cast %swap3A_121 : vector<1x1x512xi32> to vector<512xi32>
      %swap3A_123 = vector.shape_cast %argmax3A : vector<512xi32> to vector<1x1x512xi32>
      tpu.vector_store %arg4[%swap3A_118, %swap3A_119, %swap3A_120], %swap3A_123 {strides = array<i32>} : memref<1x32x512xi32, #tpu.memory_space<vmem>>, vector<1x1x512xi32>,
      %broadcast_in_dim3A_124 = vector.shape_cast %argmax3A : vector<512xi32> to vector<512x1xi32>
      %eq3A = vector.broadcast %broadcast_in_dim3A_124 : vector<512x1xi32> to vector<512x4096xi32>
      %eq3A_125 = arith.cmpi eq, %iota3A, %eq3A : vector<512x4096xi32>
      %broadcast_in_dim3A_126 = vector.broadcast %scan3A : f32 to vector<512x4096xf32>
      %select_n3A = arith.select %eq3A_125, %broadcast_in_dim3A_126, %scan3A_117 : vector<512x4096xi1>, vector<512x4096xf32>
      scf.yield %select_n3A : vector<512x4096xf32>
    }
    %scan3A_20 = arith.constant 20 : i32
    %broadcast_in_dim3A_21 = arith.constant 0 : i32
    %broadcast_in_dim3A_22 = vector.broadcast %broadcast_in_dim3A_21 : i32 to vector<512xi32>
    %swap3A = arith.constant 0 : index
    %swap3A_23 = arith.constant 20 : index
    %swap3A_24 = arith.constant 0 : index
    %swap3A_25 = vector.load %arg4[%swap3A, %swap3A_23, %swap3A_24] : memref<1x32x512xi32, #tpu.memory_space<vmem>>, vector<1x1x512xi32>
    %swap3A_26 = vector.shape_cast %swap3A_25 : vector<1x1x512xi32> to vector<512xi32>
    %swap3A_27 = vector.shape_cast %broadcast_in_dim3A_22 : vector<512xi32> to vector<1x1x512xi32>
    tpu.vector_store %arg4[%swap3A, %swap3A_23, %swap3A_24], %swap3A_27 {strides = array<i32>} : memref<1x32x512xi32, #tpu.memory_space<vmem>>, vector<1x1x512xi32>,
    %broadcast_in_dim3A_28 = arith.constant 0 : i32
    %broadcast_in_dim3A_29 = vector.broadcast %broadcast_in_dim3A_28 : i32 to vector<512xi32>
    %swap3A_30 = arith.constant 0 : index
    %swap3A_31 = arith.constant 21 : index
    %swap3A_32 = arith.constant 0 : index
    %swap3A_33 = vector.load %arg4[%swap3A_30, %swap3A_31, %swap3A_32] : memref<1x32x512xi32, #tpu.memory_space<vmem>>, vector<1x1x512xi32>
    %swap3A_34 = vector.shape_cast %swap3A_33 : vector<1x1x512xi32> to vector<512xi32>
    %swap3A_35 = vector.shape_cast %broadcast_in_dim3A_29 : vector<512xi32> to vector<1x1x512xi32>
    tpu.vector_store %arg4[%swap3A_30, %swap3A_31, %swap3A_32], %swap3A_35 {strides = array<i32>} : memref<1x32x512xi32, #tpu.memory_space<vmem>>, vector<1x1x512xi32>,
    %broadcast_in_dim3A_36 = arith.constant 0 : i32
    %broadcast_in_dim3A_37 = vector.broadcast %broadcast_in_dim3A_36 : i32 to vector<512xi32>
    %swap3A_38 = arith.constant 0 : index
    %swap3A_39 = arith.constant 22 : index
    %swap3A_40 = arith.constant 0 : index
    %swap3A_41 = vector.load %arg4[%swap3A_38, %swap3A_39, %swap3A_40] : memref<1x32x512xi32, #tpu.memory_space<vmem>>, vector<1x1x512xi32>
    %swap3A_42 = vector.shape_cast %swap3A_41 : vector<1x1x512xi32> to vector<512xi32>
    %swap3A_43 = vector.shape_cast %broadcast_in_dim3A_37 : vector<512xi32> to vector<1x1x512xi32>
    tpu.vector_store %arg4[%swap3A_38, %swap3A_39, %swap3A_40], %swap3A_43 {strides = array<i32>} : memref<1x32x512xi32, #tpu.memory_space<vmem>>, vector<1x1x512xi32>,
    %broadcast_in_dim3A_44 = arith.constant 0 : i32
    %broadcast_in_dim3A_45 = vector.broadcast %broadcast_in_dim3A_44 : i32 to vector<512xi32>
    %swap3A_46 = arith.constant 0 : index
    %swap3A_47 = arith.constant 23 : index
    %swap3A_48 = arith.constant 0 : index
    %swap3A_49 = vector.load %arg4[%swap3A_46, %swap3A_47, %swap3A_48] : memref<1x32x512xi32, #tpu.memory_space<vmem>>, vector<1x1x512xi32>
    %swap3A_50 = vector.shape_cast %swap3A_49 : vector<1x1x512xi32> to vector<512xi32>
    %swap3A_51 = vector.shape_cast %broadcast_in_dim3A_45 : vector<512xi32> to vector<1x1x512xi32>
    tpu.vector_store %arg4[%swap3A_46, %swap3A_47, %swap3A_48], %swap3A_51 {strides = array<i32>} : memref<1x32x512xi32, #tpu.memory_space<vmem>>, vector<1x1x512xi32>,
    %broadcast_in_dim3A_52 = arith.constant 0 : i32
    %broadcast_in_dim3A_53 = vector.broadcast %broadcast_in_dim3A_52 : i32 to vector<512xi32>
    %swap3A_54 = arith.constant 0 : index
    %swap3A_55 = arith.constant 24 : index
    %swap3A_56 = arith.constant 0 : index
    %swap3A_57 = vector.load %arg4[%swap3A_54, %swap3A_55, %swap3A_56] : memref<1x32x512xi32, #tpu.memory_space<vmem>>, vector<1x1x512xi32>
    %swap3A_58 = vector.shape_cast %swap3A_57 : vector<1x1x512xi32> to vector<512xi32>
    %swap3A_59 = vector.shape_cast %broadcast_in_dim3A_53 : vector<512xi32> to vector<1x1x512xi32>
    tpu.vector_store %arg4[%swap3A_54, %swap3A_55, %swap3A_56], %swap3A_59 {strides = array<i32>} : memref<1x32x512xi32, #tpu.memory_space<vmem>>, vector<1x1x512xi32>,
    %broadcast_in_dim3A_60 = arith.constant 0 : i32
    %broadcast_in_dim3A_61 = vector.broadcast %broadcast_in_dim3A_60 : i32 to vector<512xi32>
    %swap3A_62 = arith.constant 0 : index
    %swap3A_63 = arith.constant 25 : index
    %swap3A_64 = arith.constant 0 : index
    %swap3A_65 = vector.load %arg4[%swap3A_62, %swap3A_63, %swap3A_64] : memref<1x32x512xi32, #tpu.memory_space<vmem>>, vector<1x1x512xi32>
    %swap3A_66 = vector.shape_cast %swap3A_65 : vector<1x1x512xi32> to vector<512xi32>
    %swap3A_67 = vector.shape_cast %broadcast_in_dim3A_61 : vector<512xi32> to vector<1x1x512xi32>
    tpu.vector_store %arg4[%swap3A_62, %swap3A_63, %swap3A_64], %swap3A_67 {strides = array<i32>} : memref<1x32x512xi32, #tpu.memory_space<vmem>>, vector<1x1x512xi32>,
    %broadcast_in_dim3A_68 = arith.constant 0 : i32
    %broadcast_in_dim3A_69 = vector.broadcast %broadcast_in_dim3A_68 : i32 to vector<512xi32>
    %swap3A_70 = arith.constant 0 : index
    %swap3A_71 = arith.constant 26 : index
    %swap3A_72 = arith.constant 0 : index
    %swap3A_73 = vector.load %arg4[%swap3A_70, %swap3A_71, %swap3A_72] : memref<1x32x512xi32, #tpu.memory_space<vmem>>, vector<1x1x512xi32>
    %swap3A_74 = vector.shape_cast %swap3A_73 : vector<1x1x512xi32> to vector<512xi32>
    %swap3A_75 = vector.shape_cast %broadcast_in_dim3A_69 : vector<512xi32> to vector<1x1x512xi32>
    tpu.vector_store %arg4[%swap3A_70, %swap3A_71, %swap3A_72], %swap3A_75 {strides = array<i32>} : memref<1x32x512xi32, #tpu.memory_space<vmem>>, vector<1x1x512xi32>,
    %broadcast_in_dim3A_76 = arith.constant 0 : i32
    %broadcast_in_dim3A_77 = vector.broadcast %broadcast_in_dim3A_76 : i32 to vector<512xi32>
    %swap3A_78 = arith.constant 0 : index
    %swap3A_79 = arith.constant 27 : index
    %swap3A_80 = arith.constant 0 : index
    %swap3A_81 = vector.load %arg4[%swap3A_78, %swap3A_79, %swap3A_80] : memref<1x32x512xi32, #tpu.memory_space<vmem>>, vector<1x1x512xi32>
    %swap3A_82 = vector.shape_cast %swap3A_81 : vector<1x1x512xi32> to vector<512xi32>
    %swap3A_83 = vector.shape_cast %broadcast_in_dim3A_77 : vector<512xi32> to vector<1x1x512xi32>
    tpu.vector_store %arg4[%swap3A_78, %swap3A_79, %swap3A_80], %swap3A_83 {strides = array<i32>} : memref<1x32x512xi32, #tpu.memory_space<vmem>>, vector<1x1x512xi32>,
    %broadcast_in_dim3A_84 = arith.constant 0 : i32
    %broadcast_in_dim3A_85 = vector.broadcast %broadcast_in_dim3A_84 : i32 to vector<512xi32>
    %swap3A_86 = arith.constant 0 : index
    %swap3A_87 = arith.constant 28 : index
    %swap3A_88 = arith.constant 0 : index
    %swap3A_89 = vector.load %arg4[%swap3A_86, %swap3A_87, %swap3A_88] : memref<1x32x512xi32, #tpu.memory_space<vmem>>, vector<1x1x512xi32>
    %swap3A_90 = vector.shape_cast %swap3A_89 : vector<1x1x512xi32> to vector<512xi32>
    %swap3A_91 = vector.shape_cast %broadcast_in_dim3A_85 : vector<512xi32> to vector<1x1x512xi32>
    tpu.vector_store %arg4[%swap3A_86, %swap3A_87, %swap3A_88], %swap3A_91 {strides = array<i32>} : memref<1x32x512xi32, #tpu.memory_space<vmem>>, vector<1x1x512xi32>,
    %broadcast_in_dim3A_92 = arith.constant 0 : i32
    %broadcast_in_dim3A_93 = vector.broadcast %broadcast_in_dim3A_92 : i32 to vector<512xi32>
    %swap3A_94 = arith.constant 0 : index
    %swap3A_95 = arith.constant 29 : index
    %swap3A_96 = arith.constant 0 : index
    %swap3A_97 = vector.load %arg4[%swap3A_94, %swap3A_95, %swap3A_96] : memref<1x32x512xi32, #tpu.memory_space<vmem>>, vector<1x1x512xi32>
    %swap3A_98 = vector.shape_cast %swap3A_97 : vector<1x1x512xi32> to vector<512xi32>
    %swap3A_99 = vector.shape_cast %broadcast_in_dim3A_93 : vector<512xi32> to vector<1x1x512xi32>
    tpu.vector_store %arg4[%swap3A_94, %swap3A_95, %swap3A_96], %swap3A_99 {strides = array<i32>} : memref<1x32x512xi32, #tpu.memory_space<vmem>>, vector<1x1x512xi32>,
    %broadcast_in_dim3A_100 = arith.constant 0 : i32
    %broadcast_in_dim3A_101 = vector.broadcast %broadcast_in_dim3A_100 : i32 to vector<512xi32>
    %swap3A_102 = arith.constant 0 : index
    %swap3A_103 = arith.constant 30 : index
    %swap3A_104 = arith.constant 0 : index
    %swap3A_105 = vector.load %arg4[%swap3A_102, %swap3A_103, %swap3A_104] : memref<1x32x512xi32, #tpu.memory_space<vmem>>, vector<1x1x512xi32>
    %swap3A_106 = vector.shape_cast %swap3A_105 : vector<1x1x512xi32> to vector<512xi32>
    %swap3A_107 = vector.shape_cast %broadcast_in_dim3A_101 : vector<512xi32> to vector<1x1x512xi32>
    tpu.vector_store %arg4[%swap3A_102, %swap3A_103, %swap3A_104], %swap3A_107 {strides = array<i32>} : memref<1x32x512xi32, #tpu.memory_space<vmem>>, vector<1x1x512xi32>,
    %broadcast_in_dim3A_108 = arith.constant 0 : i32
    %broadcast_in_dim3A_109 = vector.broadcast %broadcast_in_dim3A_108 : i32 to vector<512xi32>
    %swap3A_110 = arith.constant 0 : index
    %swap3A_111 = arith.constant 31 : index
    %swap3A_112 = arith.constant 0 : index
    %swap3A_113 = vector.load %arg4[%swap3A_110, %swap3A_111, %swap3A_112] : memref<1x32x512xi32, #tpu.memory_space<vmem>>, vector<1x1x512xi32>
    %swap3A_114 = vector.shape_cast %swap3A_113 : vector<1x1x512xi32> to vector<512xi32>
    %swap3A_115 = vector.shape_cast %broadcast_in_dim3A_109 : vector<512xi32> to vector<1x1x512xi32>
    tpu.vector_store %arg4[%swap3A_110, %swap3A_111, %swap3A_112], %swap3A_115 {strides = array<i32>} : memref<1x32x512xi32, #tpu.memory_space<vmem>>, vector<1x1x512xi32>,
    return
  }
  func.func @transform_0(%arg0: i32, %arg1: i32) -> (i32, i32, i32) {
    %c0_i32 = arith.constant 0 : i32
    %c0_i32_0 = arith.constant 0 : i32
    return %arg0, %arg1, %c0_i32 : i32, i32, i32
  }
  func.func @transform_1(%arg0: i32, %arg1: i32) -> (i32, i32, i32) {
    %c0_i32 = arith.constant 0 : i32
    %c0_i32_0 = arith.constant 0 : i32
    %c0_i32_1 = arith.constant 0 : i32
    return %arg0, %c0_i32, %c0_i32_0 : i32, i32, i32
  }
  func.func @transform_2(%arg0: i32, %arg1: i32) -> (i32, i32, i32) {
    %c0_i32 = arith.constant 0 : i32
    %c0_i32_0 = arith.constant 0 : i32
    return %arg0, %c0_i32, %arg1 : i32, i32, i32
  }
}

module attributes {stable_mosaic.version = 14 : i64} {
  func.func @_div_kernel(%arg0: i32, %arg1: i32, %arg2: memref<1x4096x128xf32, #tpu.memory_space<vmem>>, %arg3: memref<1x4096x128xf32, #tpu.memory_space<vmem>>, %arg4: memref<1x4096x128xf32, #tpu.memory_space<vmem>>) attributes {dimension_semantics = [#tpu.dimension_semantics<arbitrary>, #tpu.dimension_semantics<arbitrary>], iteration_bounds = array<i64: 2, 8>, scalar_prefetch = 0 : i64, scratch_operands = 0 : i64, tpu.core_type = #tpu.core_type<tc>, window_params = [{transform_indices = @transform_0, window_bounds = array<i64: 1, 4096, 128>}, {transform_indices = @transform_1, window_bounds = array<i64: 1, 4096, 128>}, {transform_indices = @transform_2, window_bounds = array<i64: 1, 4096, 128>}]} {
    %get3A = arith.constant 0 : index
    %get3A_0 = arith.constant 0 : index
    %get3A_1 = arith.constant 0 : index
    %get3A_2 = vector.load %arg2[%get3A, %get3A_0, %get3A_1] : memref<1x4096x128xf32, #tpu.memory_space<vmem>>, vector<1x4096x128xf32>
    %get3A_3 = arith.constant 0 : index
    %get3A_4 = arith.constant 0 : index
    %get3A_5 = arith.constant 0 : index
    %get3A_6 = vector.load %arg3[%get3A_3, %get3A_4, %get3A_5] : memref<1x4096x128xf32, #tpu.memory_space<vmem>>, vector<1x4096x128xf32>
    %max3A = arith.constant 1.000000e+00 : f32
    %max3A_7 = vector.broadcast %max3A : f32 to vector<1x4096x128xf32>
    %max3A_8 = arith.maximumf %get3A_6, %max3A_7 : vector<1x4096x128xf32>
    %div3A = arith.divf %get3A_2, %max3A_8 : vector<1x4096x128xf32>
    %swap3A = arith.constant 0 : index
    %swap3A_9 = arith.constant 0 : index
    %swap3A_10 = arith.constant 0 : index
    %swap3A_11 = vector.load %arg4[%swap3A, %swap3A_9, %swap3A_10] : memref<1x4096x128xf32, #tpu.memory_space<vmem>>, vector<1x4096x128xf32>
    tpu.vector_store %arg4[%swap3A, %swap3A_9, %swap3A_10], %div3A {strides = array<i32>} : memref<1x4096x128xf32, #tpu.memory_space<vmem>>, vector<1x4096x128xf32>,
    return
  }
  func.func @transform_0(%arg0: i32, %arg1: i32) -> (i32, i32, i32) {
    %c0_i32 = arith.constant 0 : i32
    %c0_i32_0 = arith.constant 0 : i32
    return %arg0, %arg1, %c0_i32 : i32, i32, i32
  }
  func.func @transform_1(%arg0: i32, %arg1: i32) -> (i32, i32, i32) {
    %c0_i32 = arith.constant 0 : i32
    %c0_i32_0 = arith.constant 0 : i32
    return %arg0, %arg1, %c0_i32 : i32, i32, i32
  }
  func.func @transform_2(%arg0: i32, %arg1: i32) -> (i32, i32, i32) {
    %c0_i32 = arith.constant 0 : i32
    %c0_i32_0 = arith.constant 0 : i32
    return %arg0, %arg1, %c0_i32 : i32, i32, i32
  }
}

</mosaic_0001>

<sc_bundles>
// kernel: scatter_offload_async_start.1
scs
__scs_entry_jumppad:
0x0: {  	(pc) =	sbr.rel $0x88, $3  }
0x1: {  	(tag) =	ssettag $0x0;
	lr =	simm.s32 $0x1  }
0x2: {  	[smem:$0x3F88] =	sst lr;
	_ =	strace $0xD0000000  }
0x3: {  	_ = 	snop  }
0x4: {  	_ = 	snop  }
0x5: {  	_ = 	snop  }
0x6: {  	_ = 	snop  }
0x7: {  	_ = 	snop  }
__scs_overlays_trampoline_lowered:
0x8: {  	[smem:$0x3F97] =	sst s0  }
0x9: {  	[smem:$0x3F98] =	sst s1  }
0xa: {  	[smem:$0x3F99] =	sst s2  }
0xb: {  	[smem:$0x3F9A] =	sst s3  }
0xc: {  	[smem:$0x3F9B] =	sst s4  }
0xd: {  	[smem:$0x3F9C] =	sst s5  }
0xe: {  	[smem:$0x3F9D] =	sst s6  }
0xf: {  	[smem:$0x3F9E] =	sst s7  }
0x10: {  	[smem:$0x3F9F] =	sst s8  }
0x11: {  	[smem:$0x3FA0] =	sst s9;
	s0 =	simm.s32 @!p0 $0x0  }
0x12: {  	s1 =	sld [smem:$0x3F86];
	s0 =	simm.s32 @p0 $0x1  }
0x13: {  	[smem:$0x3FA1] =	sst s0;
	s0 =	simm.s32 @!p1 $0x0  }
0x14: {  	s2 =	sld [smem:$0x3F85];
	s0 =	simm.s32 @p1 $0x1  }
0x15: {  	[smem:$0x3FA2] =	sst s0;
	s0 =	simm.s32 @!p2 $0x0  }
0x16: {  	s3 =	sld [smem:$0x3FDB];
	s0 =	simm.s32 @p2 $0x1  }
0x17: {  	s4 =	simm.s32 $0x1BF5;
	[smem:$0x3FA4] =	sst s0  }
0x18: {  	s0 =	sld [smem:$0x3F87];
	_ =	swait.ge [sflag:s4], $0x0  }
0x19: {  	s7 =	sld [smem:$0x3F88]  }
0x1a: {  	s8 =	sadd.s32 $0xFFFFE003, lr  }
0x1b: {  	s9 =	sadd.s32 $0xFFFFFEF7, lr;
	s5 =	simm.s32 $0xFFFFFFFF;
	p2 =	slt.u32 s8, $0xFFFFF086  }
0x1c: {  	p1 =	slt.u32 s9, $0xF7A;
	s5 =	simm.s32 @!p2 $0x0  }
0x1d: {  	s5 =	simm.s32 @p1 $0x1;
	p0 =	seq.s32 s7, s2  }
0x1e: {  	s7 =	smul.u32 @!p0 $0xF7A, s2;
	p2 =	seq.s32 @!p0 s5, $0x0  }
0x1f: {  	s9 =	smul.u32 $0xF7A, s1;
	s8 =	simm.s32 @!p0 $0x1BF5;
	p2 =	por !p2, p0  }
0x20: {  	[sflag:s8] =	ssyncset.s32 @!p0 $0xFFFFF086;
	s6 =	sadd.s32 @!p0 s3, s7;
	s7 =	simm.s32 @!p0 $0x108  }
0x21: {  	s3 =	sadd.s32 s3, s9;
	s6 =	sadd.s32 @!p0 $0x88, s6;
	s7 =	simm.s32 @p2 $0x1082  }
0x22: {  	[simem:s7], [sflag:s8] =	dma.local @!p0 [hbm:s6], $0xF7A  }
0x23: {  	s9 =	sor.u32 $0xD0000000, s2;
	s6 =	simm.s32 $0x108;
	_ =	swait.ge @!p0 [sflag:s8], $0x0  }
0x24: {  	s3 =	sadd.s32 $0x88, s3;
	s6 =	simm.s32 @!p1 $0x1082;
	[sflag:s4] =	ssyncset.s32 $0xFFFFF086  }
0x25: {  	[simem:s6], [sflag:s4] =	dma.local [hbm:s3], $0xF7A  }
0x26: {  	[smem:$0x3F88] =	sst s1;
	(tag) =	ssettag s2;
	_ =	strace s9  }
0x27: {  	s1 =	sld [smem:$0x3F98]  }
0x28: {  	s2 =	sld [smem:$0x3F99]  }
0x29: {  	s4 =	sld [smem:$0x3F9B]  }
0x2a: {  	p0 =	seq.s32 s5, $0x0;
	s5 =	sld [smem:$0x3F9C]  }
0x2b: {  	s6 =	sld [smem:$0x3F9D]  }
0x2c: {  	s7 =	sld [smem:$0x3F9E]  }
0x2d: {  	s3 =	simm.s32 $0x108;
	s8 =	sld [smem:$0x3F9F]  }
0x2e: {  	s3 =	simm.s32 @!p0 $0x1082;
	s9 =	sld [smem:$0x3FA0]  }
0x2f: {  	lr =	sadd.s32 s0, s3;
	s0 =	sld [smem:$0x3F97]  }
0x30: {  	s3 =	sld [smem:$0x3F9A]  }
0x31: {  	[smem:$0x3FA3] =	sst s10  }
0x32: {  	s10 =	sld [smem:$0x3FA1];
	_ =	sdelay $0x3  }
0x33: {  	p0 =	seq.s32 s10, $0x1;
	s10 =	sld [smem:$0x3FA3];
	_ =	sdelay $0x3  }
0x34: {  	[smem:$0x3FA3] =	sst s10  }
0x35: {  	s10 =	sld [smem:$0x3FA2];
	_ =	sdelay $0x3  }
0x36: {  	p1 =	seq.s32 s10, $0x1;
	s10 =	sld [smem:$0x3FA3];
	_ =	sdelay $0x3  }
0x37: {  	[smem:$0x3FA3] =	sst s10  }
0x38: {  	s10 =	sld [smem:$0x3FA4]  }
0x39: {  	_ = 	snop;
	(pc) =	sbr.ind lr, $3  }
0x3a: {  	_ = 	snop  }
0x3b: {  	_ = 	snop  }
0x3c: {  	p2 =	seq.s32 s10, $0x1;
	s10 =	sld [smem:$0x3FA3]  }
0x3d: {  	_ =	shalt  }
0x3e: {  	_ =	shalt  }
0x3f: {  	_ =	shalt  }
0x40: {  	_ =	shalt  }
0x41: {  	_ =	shalt  }
0x42: {  	_ =	shalt  }
0x43: {  	_ =	shalt  }
0x44: {  	_ =	shalt  }
0x45: {  	_ =	shalt  }
0x46: {  	_ =	shalt  }
0x47: {  	_ =	shalt  }
0x48: {  	_ =	shalt  }
0x49: {  	_ =	shalt  }
0x4a: {  	_ =	shalt  }
0x4b: {  	_ =	shalt  }
0x4c: {  	_ =	shalt  }
0x4d: {  	_ =	shalt  }
0x4e: {  	_ =	shalt  }
0x4f: {  	_ =	shalt  }
0x50: {  	_ =	shalt  }
0x51: {  	_ =	shalt  }
0x52: {  	_ =	shalt  }
0x53: {  	_ =	shalt  }
0x54: {  	_ =	shalt  }
0x55: {  	_ =	shalt  }
0x56: {  	_ =	shalt  }
0x57: {  	_ =	shalt  }
0x58: {  	_ =	shalt  }
0x59: {  	_ =	shalt  }
0x5a: {  	_ =	shalt  }
0x5b: {  	_ =	shalt  }
0x5c: {  	_ =	shalt  }
0x5d: {  	_ =	shalt  }
0x5e: {  	_ =	shalt  }
0x5f: {  	_ =	shalt  }
0x60: {  	_ =	shalt  }
0x61: {  	_ =	shalt  }
0x62: {  	_ =	shalt  }
0x63: {  	_ =	shalt  }
0x64: {  	_ =	shalt  }
0x65: {  	_ =	shalt  }
0x66: {  	_ =	shalt  }
0x67: {  	_ =	shalt  }
0x68: {  	_ =	shalt  }
0x69: {  	_ =	shalt  }
0x6a: {  	_ =	shalt  }
0x6b: {  	_ =	shalt  }
0x6c: {  	_ =	shalt  }
0x6d: {  	_ =	shalt  }
0x6e: {  	_ =	shalt  }
0x6f: {  	_ =	shalt  }
0x70: {  	_ =	shalt  }
0x71: {  	_ =	shalt  }
0x72: {  	_ =	shalt  }
0x73: {  	_ =	shalt  }
0x74: {  	_ =	shalt  }
0x75: {  	_ =	shalt  }
0x76: {  	_ =	shalt  }
0x77: {  	_ =	shalt  }
0x78: {  	_ =	shalt  }
0x79: {  	_ =	shalt  }
0x7a: {  	_ =	shalt  }
0x7b: {  	_ =	shalt  }
0x7c: {  	_ =	shalt  }
0x7d: {  	_ =	shalt  }
0x7e: {  	_ =	shalt  }
0x7f: {  	_ =	shalt  }
0x80: {  	_ =	shalt  }
0x81: {  	_ =	shalt  }
0x82: {  	_ =	shalt  }
0x83: {  	_ =	shalt  }
0x84: {  	_ =	shalt  }
0x85: {  	_ =	shalt  }
0x86: {  	_ =	shalt  }
0x87: {  	_ =	shalt  }
.Lfunc_end0:
.L_simem_size_0:
called_computation.1_lowered:
.L_overlay_start_0:
0x88: {  	s0 =	sld [smem:$0x3FD9]  }
0x89: {  	s1 =	sld [smem:$0x3FFE];
	_ =	sdelay $0x3  }
0x8a: {  	s0 =	sadd.s32 s1, s0  }
0x8b: {  	[smem:$0x3FAF] =	sst s0  }
0x8c: {  	_ = 	snop  }
0x8d: {  	(tm) =	ssettm $0x1  }
0x8e: {  	s15 =	sld [smem:$0x3FFB];
	_ =	sdelay $0x3  }
0x8f: {  	_ =	strace s15  }
0x90: {  	s0 =	sld [smem:$0x3FFC];
	_ =	sdelay $0x3  }
0x91: {  	_ =	strace s0  }
0x92: {  	s0 =	sld [smem:$0x3FFD];
	_ =	sdelay $0x3  }
0x93: {  	_ =	strace s0  }
0x94: {  	_ =	strace $0x8FFFFFFF  }
0x95: {  	s16 =	sld [smem:$0x3FDB];
	_ =	sdelay $0x1  }
0x96: {  	s17 =	simm.s32 $_scs_section_size  }
0x97: {  	s2 =	simm.s32 $_size__tile_overlayer_lowered;
	s3 =	simm.s32 $_tile_overlayer_lowered  }
0x98: {  	s20 =	simm.s32 $0x1BFF;
	s19 =	sshll.u32 s3, $0x1;
	s0 =	sadd.s32 s17, s16  }
0x99: {  	s4 =	simm.s32 $0x0;
	s18 =	sshll.u32 s2, $0x1;
	s2 =	sadd.s32 s19, s0  }
0x9a: {  	[timem:s4], [sflag:s20] =	dma.local [hbm:s2], s18  }
0x9b: {  	_ =	swait.ge [sflag:s20], s18  }
0x9c: {  	s1 =	ssub.s32 $0x0, s18;
	[sflag:s20] =	ssyncset.done $0x0  }
0x9d: {  	[sflag:s20] =	ssyncadd.s32 s1;
	_ =	sdelay $0x1  }
0x9e: {  	s21 =	simm.s32 $0x1B8B  }
0x9f: {  	_ =	swait.ge [sflag:s21], $0x1  }
0xa0: {  	[sflag:s21] =	ssyncset.done $0x0  }
0xa1: {  	s23 =	simm.s32 $0x1B8E;
	s22 =	sld [smem:$0x3FFE];
	[sflag:s21] =	ssyncadd.s32 $0xFFFFFFFF  }
0xa2: {  	s24 =	simm.s32 $execute0_lowered;
	[smem:$0x3FD2] =	sst s23  }
0xa3: {  	s2 =	sshll.u32 s24, $0x1;
	_ =	strace $0x8000004C;
	[dreg:$0x1] =	wrdreg $0xFFFFFFFF  }
0xa4: {  	s25 =	simm.s32 $_size_execute0_lowered;
	s0 =	sadd.s32 s0, s2;
	[dreg:$0x0] =	wrdreg $0x0  }
0xa5: {  	s2 =	sshll.u32 s25, $0x1;
	[dreg:$0x2] =	wrdreg s0  }
0xa6: {  	[dreg:$0x3] =	wrdreg s2  }
0xa7: {  	[dreg:$0x4] =	wrdreg $0xC0  }
0xa8: {  	_ =	task [dreg:s4], $0x5FFFF  }
0xa9: {  	[dreg:$0x1] =	wrdreg $0xFFFFFFFF  }
0xaa: {  	[dreg:$0x0] =	wrdreg $0x60  }
0xab: {  	[dreg:$0x2] =	wrdreg s22  }
0xac: {  	[dreg:$0x3] =	wrdreg $0xA  }
0xad: {  	_ =	task.clear_ibuf [dreg:s4], $0x4FFFF;
	_ =	strace $0x9000004C  }
0xae: {  	s26 =	simm.s32 $0xA;
	_ =	strace $0x8000004E  }
0xaf: {  	_ =	swait.ge [sflag:s26], $0x1  }
0xb0: {  	[sflag:s26] =	ssyncadd.s32 $0xFFFFFFFF  }
0xb1: {  	_ =	strace $0x9000004E  }
0xb2: {  	_ =	sfence  }
0xb3: {  	s28 =	sld [smem:$0x0];
	_ =	sdelay $0x1  }
0xb4: {  	s29 =	srdreg.scid  }
0xb5: {  	s30 =	sshll.u32 s29, $0xD;
	s31 =	sshrl.u32 s29, $0x2  }
0xb6: {  	s1 =	sand.u32 $0x1, s29;
	s2 =	sand.u32 $0x4000, s30;
	s0 =	sadd.s32 s31, s28  }
0xb7: {  	s1 =	sor.u32 s2, s1;
	s0 =	sshll.u32 s0, $0x11  }
0xb8: {  	s0 =	sor.u32 s0, s1  }
0xb9: {  	s0 =	sadd.s32 $0x8F2B, s0  }
0xba: {  	[sflag:s0] =	ssyncadd.remote.s32 $0x1  }
0xbb: {  	_ =	sfence.sel $0xFFFF  }
0xbc: {  	[dreg:$0x0] =	wrdreg $0xFFFFFFFF;
	(pc) =	sbr.abs _section_cstart, $3  }
0xbd: {  	[dreg:$0x1] =	wrdreg $0xFFFFFFFF  }
0xbe: {  	_ =	task.clear_ibuf [dreg:s4], $0x2FFFF;
	_ =	strace $0x9FFFFFFF  }
0xbf: {  	(tm) =	ssettm $0x7FFFFFFF  }
tec
execute0_lowered:
.L_overlay_start_1:
0x0: {  	(tag) =	ssettag $0x1  }
0x1: {  	s1 =	rddreg [dreg:$0x0];
	_ =	strace $0x8000004D;
	s3 =	simm.s32 $0x1  }
0x2: {  	v1 =	vimm.s32 $0xFFFFFFFF;
	[sflag:s3] =	ssyncpa.u1 $0x0  }
0x3: {  	[tilespmem:$0x10] =	vst v1  }
0x4: {  	v0 =	vimm.f32 $0.0e+00;
	[tilespmem:$0x20] =	vst v1  }
0x5: {  	[tilespmem:$0x30] =	vst v0  }
0x6: {  	s0 =	simm.s32 $0x2;
	s6 =	simm.s32 $0x7;
	[tilespmem:$0x40] =	vst v0  }
0x7: {  	s2 =	stileid.u32;
	s7 =	simm.s32 $0x8;
	s31 =	simm.s32 $0x9;
	[tilespmem:$0x50] =	vst v0  }
0x8: {  	s14 =	simm.s32 $0x0;
	s15 =	simm.s32 $0x100;
	s18 =	simm.s32 $0x10;
	[tilespmem:$0x60] =	vst v1  }
0x9: {  	s19 =	simm.s32 $0x1300;
	s20 =	simm.s32 $0xF;
	s21 =	simm.s32 $0x50;
	[tilespmem:$0x70] =	vst v1  }
0xa: {  	s22 =	simm.s32 $0x8FF;
	s23 =	simm.s32 $0x20;
	s24 =	simm.s32 $0x30;
	[tilespmem:$0x80] =	vst v1  }
0xb: {  	s25 =	simm.s32 $0x10FF;
	s26 =	simm.s32 $0x80;
	s30 =	simm.s32 $0x0;
	v1 =	vimm.s32 $0x0;
	[tilespmem:$0xB0] =	vst v0  }
.Ltmp0:
0xc: {  	s29 =	simm.s32 $0x0;
	s4 =	sadd.s32 $0x150A00, s1;
	[tilespmem:$0x90] =	vst v1;
	(pc) =	sbr.rel .LBB2_1-.Ltmp0, $4  }
0xd: {  	s5 =	sadd.s32 $0x150E00, s1;
	s8 =	sshll.u32 s2, $0x9;
	[tilespmem:$0xA0] =	vst v1;
	[sflag:s0] =	ssyncpa.u1 $0x0  }
0xe: {  	s10 =	sshll.u32 s2, $0x1;
	s12 =	sshllo.u32 s2, $0x1;
	[sflag:s6] =	ssyncpa.u1 $0x0  }
0xf: {  	vm0 =	vmmov $0xffff;
	v2 =	vlaneseq.u32;
	s9 =	sadd.s32 $0x200, s8;
	s11 =	sor.u32 $0x81, s10;
	[sflag:s7] =	ssyncpa.u1 $0x0  }
0x10: {  	vm1 =	vmxor vm1, vm1;
	vm2 =	vmmov $0x1;
	vm3 =	vcmask $0x3F3C;
	s13 =	sor.u32 $0x80, s10;
	s28 =	smov.u32 s8;
	[sflag:s31] =	ssyncpa.u1 $0x0  }
.LBB2_3:
0x11: {  	s0 =	sshrl.u32 s28, $0x3  }
0x12: {  	s2 =	sand.u32 $0x7, s28;
	s0 =	sadd.s32 s4, s0  }
0x13: {  	[tilespmem:s15], [sflag:$0x7] =	stream.linear.gather [hbm4b:s0+s2], $0x200, $0x38;
	[tilespmem:$0x1320] =	vst v63  }
.LBB2_4:
0x14: {  	s0 =	sadd.s32 $0x200, s28  }
0x15: {  	s2 =	smov.u32 s8;
	s29 =	sadd.s32 $0x1, s29;
	p0 =	slt.s32 s0, s9  }
0x16: {  	s2 =	smov.u32 @p0 s0;
	p0 =	sne.s32 s29, $0x4  }
.Ltmp1:
0x17: {  	_ = 	snop;
	(pc) =	sbr.rel @!p0 .LBB2_13-.Ltmp1, $2  }
0x18: {  	_ =	sdelay $0x2  }
0x19: {  	s30 =	smov.u32 s28;
	s28 =	smov.u32 s2  }
.LBB2_1:
0x1a: {  	p0 =	sgt.s32 s29, $0x1  }
.Ltmp2:
0x1b: {  	_ = 	snop;
	(pc) =	sbr.rel @p0 .LBB2_11-.Ltmp2, $1  }
0x1c: {  	_ =	sdelay $0x3  }
0x1d: {  	p0 =	seq.s32 s29, $0x0  }
.Ltmp3:
0x1e: {  	_ = 	snop;
	(pc) =	sbr.rel @p0 .LBB2_3-.Ltmp3, $1  }
0x1f: {  	_ =	sdelay $0x3  }
0x20: {  	_ =	swait.ge [sflag:s6], $0x200  }
0x21: {  	[sflag:s6] =	ssyncset.done $0x0  }
0x22: {  	[sflag:s6] =	ssyncadd.s32 $0xFFFFFE00;
	(ifvalue) =	ssetifvalue $0xFFFFFFFF;
	v3 =	vld.msk [tilespmem:s15+$0x0 ss:$0x1], $0xffff;
	_ =	sdelay $0x4  }
0x23: {  	v4 =	vperm.xlane v3, v1  }
0x24: {  	vm4 =	vlt.u32 v3, $0x10000  }
0x25: {  	v3 =	vnsel vm4, $0xFFFFFFFE, v3;
	vm4 =	vlt.u32 v4, $0x10000  }
0x26: {  	[tilespmem:$0x70] =	vst v3;
	v3 =	vnsel vm4, $0xFFFFFFFE, v4  }
0x27: {  	s17 =	simm.s32 $0x2F0;
	[tilespmem:$0x80] =	vst v3  }
0x28: {  	v3 =	vld.msk [tilespmem:s17+$0x0 ss:$0x1], $0xffff;
	_ =	sdelay $0x4  }
0x29: {  	(xrf1) =	vunique.msk.u32 $0xffff, v3;
	_ =	sdelay $0xd  }
0x2a: {  	v4 =	vimm.s32 $0xFFFFFFFF;
	v5, _, _ =	vpop (xrf1)  }
0x2b: {  	vm5 =	vne.s32 v3, v4;
	vm4 =	veq.s32 v5, v2  }
0x2c: {  	vm6 =	vlt.u32 v3, $0x10000;
	vm4 =	vmand vm5, vm4  }
0x2d: {  	vm4 =	vmand vm6, vm4  }
0x2e: {  	v4 =	vnsel vm4, $0xFFFFFFFF, v3;
	_ =	sdelay $0x3  }
0x2f: {  	s0 =	simm.s32 $0x8F0;
	(ifvalue) =	ssetifvalue $0xFFFFFFFF  }
0x30: {  	v3 =	vperm.xlane v3, v1;
	[tilespmem:s0], [sflag:$0x8] =	stream.indirect_vreg.gather [hbm4b:s1+s14], $0x1, v4, vm0, $0x4038;
	v4 =	vnsel vm6, $0xFFFFFFFE, v4;
	[tilespmem:$0x1320] =	vst v63  }
0x31: {  	s2 =	simm.s32 $0x0;
	s16 =	simm.s32 $0x2E0;
	[tilespmem:s17+$0x0] =	vst v4  }
.LBB2_6:
0x32: {  	v4 =	vld.msk [tilespmem:s16+$0x0 ss:$0x1], $0xffff;
	s2 =	sadd.s32 $0x10, s2;
	v5 =	vmov v3;
	s17 =	smov.u32 s16  }
0x33: {  	p0 =	slt.u32 s2, $0x1F0;
	_ =	sdelay $0x4  }
0x34: {  	v3 =	vperm.xlane v4, v1;
	(xrf1) =	vunique.msk.u32 $0xffff, v4;
	_ =	sdelay $0xd  }
0x35: {  	v6, _, _ =	vpop (xrf1)  }
0x36: {  	vm5 =	vne.s32 v4, v5;
	vm4 =	veq.s32 v6, v2  }
0x37: {  	vm6 =	vlt.u32 v4, $0x10000;
	vm4 =	vmand vm5, vm4  }
0x38: {  	vm4 =	vmand vm6, vm4  }
0x39: {  	v4 =	vnsel vm4, $0xFFFFFFFF, v4  }
.Ltmp4:
0x3a: {  	v5 =	vnsel vm6, $0xFFFFFFFE, v4;
	(pc) =	sbr.rel @p0 .LBB2_6-.Ltmp4, $3  }
0x3b: {  	_ =	sdelay $0x1  }
0x3c: {  	s16 =	sadd.s32 $0xFFFFFFF0, s16;
	s0 =	sadd.s32 $0xFFFFFFF0, s0;
	(ifvalue) =	ssetifvalue $0xFFFFFFFF  }
0x3d: {  	[tilespmem:s0], [sflag:$0x8] =	stream.indirect_vreg.gather [hbm4b:s1+s14], $0x1, v4, vm0, $0x4038;
	[tilespmem:s17+$0x0] =	vst v5  }
.Ltmp5:
0x3e: {  	(pc) =	sbr.rel .LBB2_4-.Ltmp5, $4  }
0x3f: {  	_ = 	snop  }
0x40: {  	s0 =	sshrl.u32 s30, $0x3  }
0x41: {  	s2 =	simm.s32 $0xB00;
	s0 =	sadd.s32 s5, s0  }
0x42: {  	[tilespmem:s2], [sflag:$0x8] =	stream.linear.gather [hbm:s0], $0x200, $0x38;
	[tilespmem:$0x1320] =	vst v63  }
.LBB2_11:
0x43: {  	p0 =	seq.s32 s29, $0x2  }
.Ltmp6:
0x44: {  	_ = 	snop;
	(pc) =	sbr.rel @!p0 .LBB2_12-.Ltmp6, $1  }
0x45: {  	_ =	sdelay $0x3  }
0x46: {  	_ =	swait.ge [sflag:s7], $0x400  }
0x47: {  	[sflag:s7] =	ssyncset.done $0x0  }
0x48: {  	s0 =	simm.s32 $0x2FF;
	[sflag:s7] =	ssyncadd.s32 $0xFFFFFC00  }
0x49: {  	[spmem:s11] =	stream.linear.scatter [tilespmem:s0], [sflag:$0x1], $0x1, $0x38;
	[tilespmem:$0x1320] =	vst v63  }
0x4a: {  	_ =	swait.ge [sflag:s3], $0x1  }
0x4b: {  	[sflag:s3] =	ssyncset.done $0x0  }
0x4c: {  	[sflag:s3] =	ssyncadd.s32 $0xFFFFFFFF  }
0x4d: {  	v4 =	vld [tilespmem:$0x10]  }
0x4e: {  	v5 =	vld [tilespmem:$0x70]  }
0x4f: {  	v3 =	vld [tilespmem:$0x80];
	_ =	sdelay $0x2  }
0x50: {  	(v2sf) =	vpush v4, $0x0  }
0x51: {  	(v2sf) =	vpush v5, $0x0  }
0x52: {  	(v2sf) =	vpush v3, $0x0;
	_ =	sdelay $0xc  }
0x53: {  	s16 =	spop (v2sf)  }
0x54: {  	s2 =	spop (v2sf)  }
0x55: {  	s30 =	spop (v2sf)  }
0x56: {  	p0 =	seq.s32 s16, s2;
	p1 =	seq.s32 s30, s16  }
0x57: {  	p1 =	por p0, p1  }
0x58: {  	v4 =	vpsel p1, $0xFFFFFFFF, v4  }
0x59: {  	[tilespmem:s18+$0x0] =	vst.msk $0x1, v4  }
0x5a: {  	v4 =	vld [tilespmem:$0x30]  }
0x5b: {  	v5 =	vld [tilespmem:$0xB00]  }
0x5c: {  	v6 =	vld [tilespmem:$0x40];
	_ =	sdelay $0x3  }
0x5d: {  	vm4 =	vmmov vm1;
	v5 =	vadd.f32 v5, v4  }
0x5e: {  	vm5 =	vmmov vm2;
	s31 =	simm.s32 $0xB00;
	vm4 =	vmmov @p0 vm2;
	v4 =	vadd.f32 v6, v4  }
0x5f: {  	vm5 =	vmmov @p1 vm1;
	[tilespmem:s31+$0x0] =	vst.msk vm4, v5  }
0x60: {  	[tilespmem:s19+$0x0] =	vst.msk vm5, v4  }
0x61: {  	v4 =	vld [tilespmem:$0x8F0];
	_ =	sdelay $0x3  }
0x62: {  	v5 =	vimm.f32 $0.0e+00  }
0x63: {  	v4 =	vshift.insert v4, v5, s20;
	_ =	sdelay $0x1  }
0x64: {  	[tilespmem:s21+$0x0] =	vst.msk $0x1, v4  }
0x65: {  	[tilespmem:s22+$0x0] =	vst.msk $0x1, v5  }
0x66: {  	v4 =	vld [tilespmem:$0x2F0];
	_ =	sdelay $0x4  }
0x67: {  	v4 =	vshift.insert v4, v1, s20;
	_ =	sdelay $0x1  }
0x68: {  	[tilespmem:s23+$0x0] =	vst.msk $0x1, v4  }
0x69: {  	s17 =	simm.s32 $0x100;
	v6 =	vld [tilespmem:s31+$0x0]  }
0x6a: {  	v7 =	vld [tilespmem:s17+$0x0];
	_ =	sdelay $0x3  }
0x6b: {  	v5 =	vadd.f32 v6, v5  }
0x6c: {  	vm4 =	vne.s32 v7, $0xFFFFFFFF  }
0x6d: {  	(xrf2) =	vadd.seg.scan.f32 vm4, v5;
	_ =	sdelay $0x3  }
0x6e: {  	s0 =	simm.s32 $0x700;
	v5 =	vperm.xlane v4, v1  }
0x6f: {  	v6 =	vld [tilespmem:s0+$0x0]  }
0x70: {  	vm5 =	veq.s32 v7, v3;
	vm6 =	veq.s32 v7, v5  }
0x71: {  	vm7 =	vgt.u32 v7, $0xFFFFFFFD;
	vm6 =	vmor vm6, vm5  }
0x72: {  	vm6 =	vmor vm6, vm7  }
0x73: {  	v9 =	vld [tilespmem:$0xA0];
	v7 =	vsel vm6, $0xFFFFFFFF, v7  }
0x74: {  	v10 =	vld [tilespmem:$0x90];
	v6 =	vsel vm5, $0x0, v6;
	v8, _, _ =	vpop (xrf2)  }
0x75: {  	v6 =	vadd.f32 v8, v6  }
0x76: {  	s2 =	simm.s32 $0xF00  }
0x77: {  	vm4 =	vmand vm4, vm3;
	[tilespmem:s2+$0x0] =	vst v6;
	(ifvalue) =	ssetifvalue $0xFFFFFFFF  }
0x78: {  	vm6 =	veq.s32 v9, $0x1;
	[hbm4b:s1+s14] =	stream.indirect_vreg.scatter [tilespmem:s2], [sflag:$0x2], $0x1, v7, vm0, $0x4038;
	v7 =	vsel vm4, $0x0, v8;
	[tilespmem:$0x1320] =	vst v63  }
0x79: {  	s16 =	simm.s32 $0x0;
	s17 =	simm.s32 $0x110;
	vm4 =	vmor vm6, vm5;
	v6 =	vsel vm5, v8, v10;
	v7 =	vshift.insert v7, v0, s20  }
.LBB2_9:
0x7a: {  	v8 =	vld [tilespmem:s17+$0x0];
	s31 =	sadd.s32 $0x10, s31  }
0x7b: {  	s0 =	sadd.s32 $0x10, s0;
	v9 =	vld [tilespmem:s31+$0x0]  }
0x7c: {  	s16 =	sadd.s32 $0x10, s16;
	v10 =	vld [tilespmem:s0+$0x0]  }
0x7d: {  	p0 =	slt.u32 s16, $0x1F0;
	_ =	sdelay $0x2  }
0x7e: {  	v7 =	vadd.f32 v9, v7  }
0x7f: {  	vm5 =	vne.s32 v8, $0xFFFFFFFF  }
0x80: {  	vm6 =	vmand vm5, vm3;
	(xrf2) =	vadd.seg.scan.f32 vm5, v7;
	_ =	sdelay $0x5  }
0x81: {  	vm7 =	veq.s32 v8, v5;
	vm5 =	veq.s32 v8, v3  }
0x82: {  	vm8 =	vgt.u32 v8, $0xFFFFFFFD;
	vm4 =	vmor vm4, vm5;
	vm7 =	vmor vm7, vm5  }
0x83: {  	vm7 =	vmor vm7, vm8  }
0x84: {  	v8 =	vsel vm7, $0xFFFFFFFF, v8  }
.Ltmp7:
0x85: {  	v7 =	vsel vm5, $0x0, v10;
	v9, _, _ =	vpop (xrf2);
	(pc) =	sbr.rel @p0 .LBB2_9-.Ltmp7, $4  }
0x86: {  	v6 =	vsel vm5, v9, v6;
	v10 =	vadd.f32 v9, v7;
	v7 =	vsel vm6, $0x0, v9  }
0x87: {  	s2 =	sadd.s32 $0x10, s2;
	v7 =	vshift.insert v7, v0, s20  }
0x88: {  	s17 =	sadd.s32 $0x10, s17;
	[tilespmem:s2+$0x0] =	vst v10;
	(ifvalue) =	ssetifvalue $0xFFFFFFFF  }
0x89: {  	[hbm4b:s1+s14] =	stream.indirect_vreg.scatter [tilespmem:s2], [sflag:$0x2], $0x1, v8, vm0, $0x4038;
	[tilespmem:$0x1320] =	vst v63  }
0x8a: {  	v3 =	vld [tilespmem:$0x10F0];
	_ =	sdelay $0x4  }
0x8b: {  	v3 =	vshift.insert v3, v0, s20;
	_ =	sdelay $0x1  }
0x8c: {  	[tilespmem:s24+$0x0] =	vst.msk $0x1, v3  }
0x8d: {  	v3 =	vsel vm4, $0x1, v1;
	[tilespmem:$0x90] =	vst v6  }
0x8e: {  	[tilespmem:$0xA0] =	vst v3  }
0x8f: {  	[spmem:s12] =	stream.linear.scatter [tilespmem:s25], [sflag:$0x1], $0x1, $0x38;
	[tilespmem:$0x1320] =	vst v63  }
0x90: {  	v3 =	vmctz.xlane vm4;
	_ =	swait.ge [sflag:s3], $0x1  }
0x91: {  	(v2sf) =	vpush v4, $0x0  }
0x92: {  	(v2sf) =	vpush v3, $0x0;
	_ =	sdelay $0xd  }
0x93: {  	s0 =	spop (v2sf)  }
0x94: {  	s2 =	spop (v2sf)  }
0x95: {  	[sflag:s3] =	ssyncset.done $0x0;
	p0 =	sne.s32 s30, s0;
	p1 =	slt.s32 s2, $0xF  }
0x96: {  	[sflag:s3] =	ssyncadd.s32 $0xFFFFFFFF;
	v3 =	vimm.s32 @!p0 $0xFFFFFFFF;
	s2 =	simm.s32 @!p1 $0xF  }
0x97: {  	[tilespmem:$0x80] =	vst @!p0 v3;
	s31 =	sadd.s32 $0x90, s2  }
0x98: {  	[spmem:s10] =	stream.linear.scatter [tilespmem:s31], [sflag:$0x1], $0x1, $0x38;
	[tilespmem:$0x1320] =	vst v63  }
0x99: {  	_ =	swait.ge [sflag:s3], $0x1  }
0x9a: {  	[sflag:s3] =	ssyncset.done $0x0  }
0x9b: {  	[sflag:s3] =	ssyncadd.s32 $0xFFFFFFFF  }
0x9c: {  	[spmem:s13] =	stream.linear.scatter [tilespmem:s26], [sflag:$0x1], $0x1, $0x38;
	[tilespmem:$0x1320] =	vst v63  }
0x9d: {  	_ =	swait.ge [sflag:s3], $0x1  }
0x9e: {  	[sflag:s3] =	ssyncset.done $0x0  }
0x9f: {  	[sflag:s3] =	ssyncadd.s32 $0xFFFFFFFF;
	(ifvalue) =	ssetifvalue $0xFFFFFFFF;
	v3 =	vld [tilespmem:$0x10];
	_ =	sdelay $0x3  }
.Ltmp8:
0xa0: {  	_ = 	snop;
	(pc) =	sbr.rel .LBB2_4-.Ltmp8, $3  }
0xa1: {  	_ =	sdelay $0x1  }
0xa2: {  	(ifvalue) =	ssetifvalue $0xFFFFFFFF  }
0xa3: {  	[hbm4b:s1+s14] =	stream.indirect_vreg.scatter [tilespmem:s19], [sflag:$0x9], $0x1, v3, vm0, $0x4038;
	[tilespmem:$0x1320] =	vst v63  }
.LBB2_12:
0xa4: {  	s0 =	simm.s32 $0x2  }
0xa5: {  	_ =	swait.ge [sflag:s0], $0x200  }
0xa6: {  	[sflag:s0] =	ssyncset.done $0x0  }
0xa7: {  	s31 =	simm.s32 $0x9;
	[sflag:s0] =	ssyncadd.s32 $0xFFFFFE00  }
0xa8: {  	_ =	swait.ge [sflag:s31], $0x10  }
0xa9: {  	[sflag:s31] =	ssyncset.done $0x0  }
0xaa: {  	[sflag:s31] =	ssyncadd.s32 $0xFFFFFFF0  }
.LBB2_13:
0xab: {  	_ =	sfence.sel $0x180000  }
0xac: {  	s0 =	simm.s32 $0x7;
	[bflag:$0x0] =	sbarrier.arrive $0xFFFF  }
0xad: {  	s26 =	simm.s32 $0x8;
	[sflag:s0] =	ssyncpa.u1 $0x1  }
0xae: {  	s28 =	simm.s32 $0x9;
	[sflag:s26] =	ssyncpa.u1 $0x1  }
0xaf: {  	[sflag:s28] =	ssyncpa.u1 $0x1  }
0xb0: {  	_ =	sfence.stream.spmem  }
0xb1: {  	s29 =	simm.s32 $0x3;
	[bflag:$0x0] =	sbarrier.arrive $0xFFFF  }
0xb2: {  	s30 =	simm.s32 $0x4;
	[sflag:s29] =	ssyncpa.u1 $0x1  }
0xb3: {  	s31 =	simm.s32 $0x3C;
	s2 =	stileid.u32;
	[sflag:s30] =	ssyncpa.u1 $0x1  }
0xb4: {  	p0 =	sne.s32 s2, $0x0;
	[sflag:s31] =	ssyncpa.u1 $0x1  }
0xb5: {  	s0 =	simm.s32 @p0 $0x1;
	_ =	sfence @p0  }
0xb6: {  	[sflag:s0] =	ssyncpa.u1 @p0 $0x1;
	s0 =	simm.s32 @p0 $0x2  }
0xb7: {  	[sflag:s0] =	ssyncpa.u1 @p0 $0x1  }
0xb8: {  	_ =	strace @p0 $0x9000004D  }
0xb9: {  	[bflag:$0x2] =	sbarrier.arrive @p0 $0xFFFF  }
0xba: {  	_ =	shalt @p0  }
.LBB2_14:
0xbb: {  	_ =	sfence.stream.spmem;
	s0 =	simm.s32 $0x5  }
0xbc: {  	s2 =	simm.s32 $0x80;
	s3 =	simm.s32 $0xC0;
	[sflag:s0] =	ssyncpa.u1 $0x0  }
0xbd: {  	[tilespmem:s3], [sflag:$0x5] =	stream.linear.gather [spmem:s2], $0x20, $0x38;
	[tilespmem:$0x1320] =	vst v63  }
0xbe: {  	s2 =	simm.s32 $0x0;
	s3 =	simm.s32 $0xE0  }
0xbf: {  	[tilespmem:s3], [sflag:$0x5] =	stream.linear.gather [spmem:s2], $0x20, $0x38;
	[tilespmem:$0x1320] =	vst v63  }
.Ltmp9:
0xc0: {  	_ = 	snop;
	(pc) =	sbr.rel .LBB2_15-.Ltmp9, $4  }
0xc1: {  	_ =	swait.ge [sflag:s0], $0x40  }
0xc2: {  	[sflag:s0] =	ssyncset.done $0x0  }
0xc3: {  	s31 =	simm.s32 $0x6;
	[sflag:s0] =	ssyncadd.s32 $0xFFFFFFC0  }
0xc4: {  	s4 =	simm.s32 $0x0;
	[sflag:s31] =	ssyncpa.u1 $0x0  }
.LBB2_20:
0xc5: {  	p0 =	sgt.u32 s0, $0xFFFF  }
0xc6: {  	s5 =	sshrl.u32 @!p0 s0, $0x3  }
0xc7: {  	s0 =	sand.u32 @!p0 $0x7, s0;
	s6 =	simm.s32 @!p0 $0xB0;
	s5 =	sadd.s32 @!p0 s1, s5  }
0xc8: {  	[tilespmem:s6], [sflag:$0x6] =	stream.linear.gather @!p0 [hbm4b:s5+s0], $0x1, $0x38;
	[tilespmem:$0x1320] =	vst v63  }
0xc9: {  	s0 =	simm.s32 @!p0 $0x6  }
0xca: {  	_ =	swait.ge @!p0 [sflag:s0], $0x1  }
0xcb: {  	[sflag:s0] =	ssyncset.done @!p0 $0x0  }
0xcc: {  	[sflag:s0] =	ssyncadd.s32 @!p0 $0xFFFFFFFF  }
0xcd: {  	v2 =	vmov @!p0 s4;
	v1 =	vld.msk @!p0 [tilespmem:$0xB0], $0x1;
	_ =	sdelay $0x3  }
0xce: {  	s0 =	simm.s32 @!p0 $0xE0  }
0xcf: {  	[tilespmem:v2+s0+$0x0], v1 =	vst.idx.ret.add.f32.msk @!p0 $0x1, v1  }
0xd0: {  	[tilespmem:s2+$0xC0] =	vst.msk $0x1, v0  }
0xd1: {  	v0 =	vld.msk [tilespmem:s4+$0xE0], $0x1;
	_ =	sdelay $0x4  }
0xd2: {  	[tilespmem:s2+$0xE0] =	vst.msk $0x1, v0;
	s2 =	sadd.s32 $0x1, s2  }
.LBB2_22:
0xd3: {  	s4 =	sadd.s32 $0x1, s4  }
0xd4: {  	p0 =	sne.s32 s4, $0x20  }
.Ltmp10:
0xd5: {  	_ = 	snop;
	(pc) =	sbr.rel @!p0 .LBB2_23-.Ltmp10, $1  }
0xd6: {  	_ =	sdelay $0x3  }
.LBB2_15:
0xd7: {  	v0 =	vld.msk [tilespmem:s4+$0xC0], $0x1;
	_ =	sdelay $0x4  }
0xd8: {  	(v2sf) =	vpush v0, $0x0;
	_ =	sdelay $0xe  }
0xd9: {  	s0 =	spop (v2sf)  }
0xda: {  	p0 =	seq.s32 s0, $0xFFFFFFFF  }
.Ltmp11:
0xdb: {  	_ = 	snop;
	(pc) =	sbr.rel @p0 .LBB2_22-.Ltmp11, $1  }
0xdc: {  	_ =	sdelay $0x3  }
0xdd: {  	p0 =	slt.s32 s2, $0x1  }
.Ltmp12:
0xde: {  	_ = 	snop;
	(pc) =	sbr.rel @p0 .LBB2_20-.Ltmp12, $1  }
0xdf: {  	_ =	sdelay $0x3  }
0xe0: {  	s5 =	simm.s32 $0xC0;
	p0 =	por $0x0, $0x0  }
0xe1: {  	v1 =	vld.msk @!p0 [tilespmem:s5+$0x0], $0x1;
	_ =	sdelay $0x4  }
0xe2: {  	(v2sf) =	vpush @!p0 v1, $0x0;
	_ =	sdelay $0xd  }
0xe3: {  	p2 =	sne.s32 s2, $0x1  }
.Ltmp13:
0xe4: {  	s6 =	spop @!p0 (v2sf);
	(pc) =	sbr.rel @!p2 .LBB2_19-.Ltmp13, $4  }
0xe5: {  	p1 =	seq.s32 @!p0 s0, s6  }
0xe6: {  	s6 =	simm.s32 $0x0;
	p1 =	por !p1, p0  }
0xe7: {  	s8 =	simm.s32 $0xFFFFFFFF;
	s6 =	simm.s32 @p1 $0xFFFFFFFF  }
0xe8: {  	s7 =	simm.s32 $0x1;
	s6 =	smov.u32 @p0 s8  }
.LBB2_18:
0xe9: {  	s8 =	smov.u32 s6;
	p0 =	sne.s32 s6, $0xFFFFFFFF  }
0xea: {  	s5 =	sadd.s32 $0x1, s5;
	s6 =	smov.u32 s7;
	s7 =	sadd.s32 $0x1, s7  }
0xeb: {  	p1 =	sne.s32 s2, s7;
	v1 =	vld.msk @!p0 [tilespmem:s5+$0x0], $0x1;
	_ =	sdelay $0x4  }
0xec: {  	(v2sf) =	vpush @!p0 v1, $0x0;
	_ =	sdelay $0xe  }
.Ltmp14:
0xed: {  	s9 =	spop @!p0 (v2sf);
	(pc) =	sbr.rel @p1 .LBB2_18-.Ltmp14, $4  }
0xee: {  	p2 =	seq.s32 @!p0 s0, s9  }
0xef: {  	p2 =	por !p2, p0  }
0xf0: {  	s6 =	simm.s32 @p2 $0xFFFFFFFF  }
0xf1: {  	s6 =	smov.u32 @p0 s8  }
.LBB2_19:
0xf2: {  	p0 =	sne.s32 s6, $0xFFFFFFFF  }
.Ltmp15:
0xf3: {  	_ = 	snop;
	(pc) =	sbr.rel @!p0 .LBB2_20-.Ltmp15, $1  }
0xf4: {  	_ =	sdelay $0x3  }
0xf5: {  	v0 =	vld.msk [tilespmem:s4+$0xE0], $0x1;
	v1 =	vmov s6  }
.Ltmp16:
0xf6: {  	_ = 	snop;
	(pc) =	sbr.rel .LBB2_22-.Ltmp16, $2  }
0xf7: {  	_ =	sdelay $0x2  }
0xf8: {  	[tilespmem:v1+s3+$0x0], v0 =	vst.idx.ret.add.f32.msk $0x1, v0  }
.LBB2_23:
0xf9: {  	p0 =	slt.s32 s2, $0x1  }
.Ltmp17:
0xfa: {  	_ = 	snop;
	(pc) =	sbr.rel @p0 .LBB2_27-.Ltmp17, $3  }
0xfb: {  	_ =	sdelay $0x1  }
0xfc: {  	s0 =	simm.s32 $0x6  }
0xfd: {  	[sflag:s0] =	ssyncpa.u1 $0x1;
	s0 =	simm.s32 $0x0  }
0xfe: {  	s3 =	simm.s32 $0xC0  }
0xff: {  	v0 =	vld.msk [tilespmem:s3+$0x0], $0x1;
	_ =	sdelay $0x4  }
0x100: {  	(v2sf) =	vpush v0, $0x0;
	_ =	sdelay $0xe  }
0x101: {  	s2 =	sadd.s32 $0xFFFFFFFF, s2;
	s4 =	spop (v2sf)  }
0x102: {  	p1 =	sne.s32 s2, $0x0;
	p0 =	sgt.u32 s4, $0xFFFF  }
.Ltmp18:
0x103: {  	s5 =	sshrl.u32 @!p0 s4, $0x3;
	(pc) =	sbr.rel @!p1 .LBB2_26-.Ltmp18, $4  }
0x104: {  	s3 =	simm.s32 $0xE0;
	s4 =	sand.u32 @!p0 $0x7, s4;
	s5 =	sadd.s32 @!p0 s1, s5  }
0x105: {  	[hbm4b:s5+s4] =	stream.linear.scatter @!p0 [tilespmem:s3], [sflag:$0x5], $0x1, $0x38;
	[tilespmem:$0x1320] =	vst v63  }
0x106: {  	s5 =	simm.s32 $0x0  }
0x107: {  	s4 =	simm.s32 $0xC1;
	s5 =	simm.s32 @!p0 $0x4  }
.LBB2_25:
0x108: {  	v0 =	vld.msk [tilespmem:s4+$0x0], $0x1;
	s2 =	sadd.s32 $0xFFFFFFFF, s2;
	s0 =	sadd.s32 s0, s5  }
0x109: {  	p0 =	sne.s32 s2, $0x0;
	_ =	sdelay $0x3  }
0x10a: {  	(v2sf) =	vpush v0, $0x0;
	_ =	sdelay $0xe  }
.Ltmp19:
0x10b: {  	s6 =	spop (v2sf);
	(pc) =	sbr.rel @p0 .LBB2_25-.Ltmp19, $4  }
0x10c: {  	s5 =	simm.s32 $0x0;
	p1 =	sgt.u32 s6, $0xFFFF  }
0x10d: {  	s3 =	sadd.s32 $0x1, s3;
	s5 =	simm.s32 @!p1 $0x4;
	s7 =	sshrl.u32 @!p1 s6, $0x3  }
0x10e: {  	s4 =	sadd.s32 $0x1, s4;
	s6 =	sand.u32 @!p1 $0x7, s6;
	s7 =	sadd.s32 @!p1 s1, s7  }
0x10f: {  	[hbm4b:s7+s6] =	stream.linear.scatter @!p1 [tilespmem:s3], [sflag:$0x5], $0x1, $0x38;
	[tilespmem:$0x1320] =	vst v63  }
.LBB2_26:
0x110: {  	s0 =	sadd.s32 s0, s5  }
0x111: {  	s0 =	sshrl.u32 s0, $0x2  }
.LBB2_27:
0x112: {  	s1 =	simm.s32 $0x5  }
0x113: {  	_ =	swait.ge [sflag:s1], s0  }
0x114: {  	s28 =	ssub.s32 $0x0, s0;
	[sflag:s1] =	ssyncset.done $0x0  }
0x115: {  	[sflag:s1] =	ssyncadd.s32 s28  }
0x116: {  	[sflag:s1] =	ssyncpa.u1 $0x1  }
0x117: {  	s29 =	simm.s32 $0x1;
	_ =	sfence  }
0x118: {  	s30 =	simm.s32 $0x2;
	[sflag:s29] =	ssyncpa.u1 $0x1  }
0x119: {  	[sflag:s30] =	ssyncpa.u1 $0x1  }
0x11a: {  	_ =	strace $0x9000004D  }
0x11b: {  	[bflag:$0x2] =	sbarrier.arrive $0xFFFF  }
0x11c: {  	s31 =	rddreg [dreg:$0x1]  }
0x11d: {  	s0 =	sadd.s32 $0x100000, s31  }
0x11e: {  	[sflag:s0] =	ssyncadd.tile.s32 $0x1;
	_ =	shalt  }
.Lfunc_end2:
_tile_overlayer_lowered:
.L_overlay_start_2:
0x11f: {  	(tag) =	ssettag $0x2  }
0x120: {  	s0 =	rddreg [dreg:$0x0];
	s2 =	stileid.u32  }
0x121: {  	s1 =	rddreg [dreg:$0x1];
	p0 =	sne.s32 s2, $0x0  }
0x122: {  	s3 =	rddreg [dreg:$0x2];
	[bflag:$0x3] =	sbarrier.arrive $0xFFFF;
	s2 =	simm.s32 @!p0 $0x1C01  }
0x123: {  	[timem:s3], [sflag:s2] =	dma.local @!p0 [hbm:s0], s1  }
0x124: {  	s0 =	simm.s32 @!p0 $0x1  }
0x125: {  	_ =	swait.ge @!p0 [sflag:s0], s1  }
0x126: {  	s1 =	ssub.s32 @!p0 $0x0, s1;
	[sflag:s0] =	ssyncset.done @!p0 $0x0  }
0x127: {  	[sflag:s0] =	ssyncadd.s32 @!p0 s1  }
0x128: {  	[bflag:$0x3] =	sbarrier.arrive $0xFFFF  }
0x129: {  	_ =	shalt  }

// kernel: scatter_offload_async_start
scs
__scs_entry_jumppad:
0x0: {  	(pc) =	sbr.rel $0x88, $3  }
0x1: {  	(tag) =	ssettag $0x0;
	lr =	simm.s32 $0x1  }
0x2: {  	[smem:$0x3F88] =	sst lr;
	_ =	strace $0xD0000000  }
0x3: {  	_ = 	snop  }
0x4: {  	_ = 	snop  }
0x5: {  	_ = 	snop  }
0x6: {  	_ = 	snop  }
0x7: {  	_ = 	snop  }
__scs_overlays_trampoline_lowered:
0x8: {  	[smem:$0x3F97] =	sst s0  }
0x9: {  	[smem:$0x3F98] =	sst s1  }
0xa: {  	[smem:$0x3F99] =	sst s2  }
0xb: {  	[smem:$0x3F9A] =	sst s3  }
0xc: {  	[smem:$0x3F9B] =	sst s4  }
0xd: {  	[smem:$0x3F9C] =	sst s5  }
0xe: {  	[smem:$0x3F9D] =	sst s6  }
0xf: {  	[smem:$0x3F9E] =	sst s7  }
0x10: {  	[smem:$0x3F9F] =	sst s8  }
0x11: {  	[smem:$0x3FA0] =	sst s9;
	s0 =	simm.s32 @!p0 $0x0  }
0x12: {  	s1 =	sld [smem:$0x3F86];
	s0 =	simm.s32 @p0 $0x1  }
0x13: {  	[smem:$0x3FA1] =	sst s0;
	s0 =	simm.s32 @!p1 $0x0  }
0x14: {  	s2 =	sld [smem:$0x3F85];
	s0 =	simm.s32 @p1 $0x1  }
0x15: {  	[smem:$0x3FA2] =	sst s0;
	s0 =	simm.s32 @!p2 $0x0  }
0x16: {  	s3 =	sld [smem:$0x3FDB];
	s0 =	simm.s32 @p2 $0x1  }
0x17: {  	s4 =	simm.s32 $0x1BF5;
	[smem:$0x3FA4] =	sst s0  }
0x18: {  	s0 =	sld [smem:$0x3F87];
	_ =	swait.ge [sflag:s4], $0x0  }
0x19: {  	s7 =	sld [smem:$0x3F88]  }
0x1a: {  	s8 =	sadd.s32 $0xFFFFE003, lr  }
0x1b: {  	s9 =	sadd.s32 $0xFFFFFEF7, lr;
	s5 =	simm.s32 $0xFFFFFFFF;
	p2 =	slt.u32 s8, $0xFFFFF086  }
0x1c: {  	p1 =	slt.u32 s9, $0xF7A;
	s5 =	simm.s32 @!p2 $0x0  }
0x1d: {  	s5 =	simm.s32 @p1 $0x1;
	p0 =	seq.s32 s7, s2  }
0x1e: {  	s7 =	smul.u32 @!p0 $0xF7A, s2;
	p2 =	seq.s32 @!p0 s5, $0x0  }
0x1f: {  	s9 =	smul.u32 $0xF7A, s1;
	s8 =	simm.s32 @!p0 $0x1BF5;
	p2 =	por !p2, p0  }
0x20: {  	[sflag:s8] =	ssyncset.s32 @!p0 $0xFFFFF086;
	s6 =	sadd.s32 @!p0 s3, s7;
	s7 =	simm.s32 @!p0 $0x108  }
0x21: {  	s3 =	sadd.s32 s3, s9;
	s6 =	sadd.s32 @!p0 $0x88, s6;
	s7 =	simm.s32 @p2 $0x1082  }
0x22: {  	[simem:s7], [sflag:s8] =	dma.local @!p0 [hbm:s6], $0xF7A  }
0x23: {  	s9 =	sor.u32 $0xD0000000, s2;
	s6 =	simm.s32 $0x108;
	_ =	swait.ge @!p0 [sflag:s8], $0x0  }
0x24: {  	s3 =	sadd.s32 $0x88, s3;
	s6 =	simm.s32 @!p1 $0x1082;
	[sflag:s4] =	ssyncset.s32 $0xFFFFF086  }
0x25: {  	[simem:s6], [sflag:s4] =	dma.local [hbm:s3], $0xF7A  }
0x26: {  	[smem:$0x3F88] =	sst s1;
	(tag) =	ssettag s2;
	_ =	strace s9  }
0x27: {  	s1 =	sld [smem:$0x3F98]  }
0x28: {  	s2 =	sld [smem:$0x3F99]  }
0x29: {  	s4 =	sld [smem:$0x3F9B]  }
0x2a: {  	p0 =	seq.s32 s5, $0x0;
	s5 =	sld [smem:$0x3F9C]  }
0x2b: {  	s6 =	sld [smem:$0x3F9D]  }
0x2c: {  	s7 =	sld [smem:$0x3F9E]  }
0x2d: {  	s3 =	simm.s32 $0x108;
	s8 =	sld [smem:$0x3F9F]  }
0x2e: {  	s3 =	simm.s32 @!p0 $0x1082;
	s9 =	sld [smem:$0x3FA0]  }
0x2f: {  	lr =	sadd.s32 s0, s3;
	s0 =	sld [smem:$0x3F97]  }
0x30: {  	s3 =	sld [smem:$0x3F9A]  }
0x31: {  	[smem:$0x3FA3] =	sst s10  }
0x32: {  	s10 =	sld [smem:$0x3FA1];
	_ =	sdelay $0x3  }
0x33: {  	p0 =	seq.s32 s10, $0x1;
	s10 =	sld [smem:$0x3FA3];
	_ =	sdelay $0x3  }
0x34: {  	[smem:$0x3FA3] =	sst s10  }
0x35: {  	s10 =	sld [smem:$0x3FA2];
	_ =	sdelay $0x3  }
0x36: {  	p1 =	seq.s32 s10, $0x1;
	s10 =	sld [smem:$0x3FA3];
	_ =	sdelay $0x3  }
0x37: {  	[smem:$0x3FA3] =	sst s10  }
0x38: {  	s10 =	sld [smem:$0x3FA4]  }
0x39: {  	_ = 	snop;
	(pc) =	sbr.ind lr, $3  }
0x3a: {  	_ = 	snop  }
0x3b: {  	_ = 	snop  }
0x3c: {  	p2 =	seq.s32 s10, $0x1;
	s10 =	sld [smem:$0x3FA3]  }
0x3d: {  	_ =	shalt  }
0x3e: {  	_ =	shalt  }
0x3f: {  	_ =	shalt  }
0x40: {  	_ =	shalt  }
0x41: {  	_ =	shalt  }
0x42: {  	_ =	shalt  }
0x43: {  	_ =	shalt  }
0x44: {  	_ =	shalt  }
0x45: {  	_ =	shalt  }
0x46: {  	_ =	shalt  }
0x47: {  	_ =	shalt  }
0x48: {  	_ =	shalt  }
0x49: {  	_ =	shalt  }
0x4a: {  	_ =	shalt  }
0x4b: {  	_ =	shalt  }
0x4c: {  	_ =	shalt  }
0x4d: {  	_ =	shalt  }
0x4e: {  	_ =	shalt  }
0x4f: {  	_ =	shalt  }
0x50: {  	_ =	shalt  }
0x51: {  	_ =	shalt  }
0x52: {  	_ =	shalt  }
0x53: {  	_ =	shalt  }
0x54: {  	_ =	shalt  }
0x55: {  	_ =	shalt  }
0x56: {  	_ =	shalt  }
0x57: {  	_ =	shalt  }
0x58: {  	_ =	shalt  }
0x59: {  	_ =	shalt  }
0x5a: {  	_ =	shalt  }
0x5b: {  	_ =	shalt  }
0x5c: {  	_ =	shalt  }
0x5d: {  	_ =	shalt  }
0x5e: {  	_ =	shalt  }
0x5f: {  	_ =	shalt  }
0x60: {  	_ =	shalt  }
0x61: {  	_ =	shalt  }
0x62: {  	_ =	shalt  }
0x63: {  	_ =	shalt  }
0x64: {  	_ =	shalt  }
0x65: {  	_ =	shalt  }
0x66: {  	_ =	shalt  }
0x67: {  	_ =	shalt  }
0x68: {  	_ =	shalt  }
0x69: {  	_ =	shalt  }
0x6a: {  	_ =	shalt  }
0x6b: {  	_ =	shalt  }
0x6c: {  	_ =	shalt  }
0x6d: {  	_ =	shalt  }
0x6e: {  	_ =	shalt  }
0x6f: {  	_ =	shalt  }
0x70: {  	_ =	shalt  }
0x71: {  	_ =	shalt  }
0x72: {  	_ =	shalt  }
0x73: {  	_ =	shalt  }
0x74: {  	_ =	shalt  }
0x75: {  	_ =	shalt  }
0x76: {  	_ =	shalt  }
0x77: {  	_ =	shalt  }
0x78: {  	_ =	shalt  }
0x79: {  	_ =	shalt  }
0x7a: {  	_ =	shalt  }
0x7b: {  	_ =	shalt  }
0x7c: {  	_ =	shalt  }
0x7d: {  	_ =	shalt  }
0x7e: {  	_ =	shalt  }
0x7f: {  	_ =	shalt  }
0x80: {  	_ =	shalt  }
0x81: {  	_ =	shalt  }
0x82: {  	_ =	shalt  }
0x83: {  	_ =	shalt  }
0x84: {  	_ =	shalt  }
0x85: {  	_ =	shalt  }
0x86: {  	_ =	shalt  }
0x87: {  	_ =	shalt  }
.Lfunc_end0:
.L_simem_size_0:
called_computation_lowered:
.L_overlay_start_0:
0x88: {  	s2 =	sld [smem:$0x3FD9]  }
0x89: {  	s3 =	sld [smem:$0x3FFE];
	_ =	sdelay $0x1  }
0x8a: {  	s1 =	srdreg.scid  }
0x8b: {  	s0 =	sand.u32 $0x1, s1  }
0x8c: {  	s17 =	sshll.u32 s0, $0xA;
	s2 =	sadd.s32 s3, s2  }
0x8d: {  	s2 =	sadd.s32 s2, s17  }
0x8e: {  	[smem:$0x3FAF] =	sst s2  }
0x8f: {  	_ = 	snop  }
0x90: {  	s18 =	sld [smem:$0x3FD0];
	(tm) =	ssettm $0x1  }
0x91: {  	s19 =	sld [smem:$0x3FFB];
	_ =	sdelay $0x3  }
0x92: {  	_ =	strace s19  }
0x93: {  	s2 =	sld [smem:$0x3FFC];
	_ =	sdelay $0x3  }
0x94: {  	_ =	strace s2  }
0x95: {  	s2 =	sld [smem:$0x3FFD];
	_ =	sdelay $0x3  }
0x96: {  	_ =	strace s2  }
0x97: {  	_ =	strace $0x8FFFFFFF  }
0x98: {  	s20 =	sld [smem:$0x3FDB];
	_ =	sdelay $0x1  }
0x99: {  	s4 =	simm.s32 $_scs_section_size  }
0x9a: {  	s5 =	simm.s32 $_size__tile_overlayer_lowered;
	s6 =	simm.s32 $_tile_overlayer_lowered  }
0x9b: {  	s7 =	simm.s32 $0x1BFF;
	s21 =	sshll.u32 s6, $0x1;
	s4 =	sadd.s32 s4, s20  }
0x9c: {  	s22 =	simm.s32 $0x0;
	s5 =	sshll.u32 s5, $0x1;
	s6 =	sadd.s32 s21, s4  }
0x9d: {  	[timem:s22], [sflag:s7] =	dma.local [hbm:s6], s5  }
0x9e: {  	_ =	swait.ge [sflag:s7], s5  }
0x9f: {  	s5 =	ssub.s32 $0x0, s5;
	[sflag:s7] =	ssyncset.done $0x0  }
0xa0: {  	[sflag:s7] =	ssyncadd.s32 s5;
	_ =	sdelay $0x1  }
0xa1: {  	s23 =	simm.s32 $0x1B8B  }
0xa2: {  	_ =	swait.ge [sflag:s23], $0x1  }
0xa3: {  	[sflag:s23] =	ssyncset.done $0x0  }
0xa4: {  	[sflag:s23] =	ssyncadd.s32 $0xFFFFFFFF  }
0xa5: {  	s5 =	sld [smem:$0x0]  }
0xa6: {  	s6 =	sand.u32 $0xFFFFFFFE, s1  }
0xa7: {  	p0 =	sne.s32 s1, s6  }
0xa8: {  	s6 =	sshll.u32 @p0 s6, $0xE  }
0xa9: {  	s6 =	sadd.s32 @p0 $0x11B8D, s6;
	s7 =	sshll.u32 @p0 s5, $0x11  }
0xaa: {  	s6 =	sor.u32 @p0 s7, s6  }
0xab: {  	[sflag:s6] =	ssyncadd.remote.s32 @p0 $0x1;
	_ =	sdelay $0x1  }
0xac: {  	s6 =	simm.s32 @p0 $0x1B8D  }
0xad: {  	_ =	swait.eq @p0 [sflag:s6], $0x1  }
0xae: {  	[sflag:s6] =	ssyncadd.s32 @p0 $0xFFFFFFFF  }
0xaf: {  	s7 =	sshll.u32 @!p0 s1, $0xE  }
0xb0: {  	s7 =	sor.u32 @!p0 $0x4000, s7;
	s6 =	simm.s32 @!p0 $0x1B8D  }
0xb1: {  	s8 =	sshll.u32 @!p0 s5, $0x11;
	s7 =	sadd.s32 @!p0 $0x11B8D, s7;
	_ =	swait.eq @!p0 [sflag:s6], $0x1  }
0xb2: {  	[sflag:s6] =	ssyncadd.s32 @!p0 $0xFFFFFFFF;
	s6 =	sor.u32 @!p0 s8, s7  }
0xb3: {  	s25 =	simm.s32 $0x1B8E;
	s24 =	sld [smem:$0x3FFE];
	[sflag:s6] =	ssyncadd.remote.s32 @!p0 $0x1  }
0xb4: {  	s26 =	simm.s32 $execute0_lowered;
	[smem:$0x3FD2] =	sst s25  }
0xb5: {  	s7 =	sshll.u32 s26, $0x1;
	_ =	strace $0x8000004F;
	[dreg:$0x1] =	wrdreg $0xFFFFFFFF  }
0xb6: {  	s28 =	simm.s32 $_size_execute0_lowered;
	s4 =	sadd.s32 s4, s7;
	[dreg:$0x0] =	wrdreg $0x0  }
0xb7: {  	s7 =	sshll.u32 s28, $0x1;
	[dreg:$0x2] =	wrdreg s4  }
0xb8: {  	[dreg:$0x3] =	wrdreg s7  }
0xb9: {  	[dreg:$0x4] =	wrdreg $0xC0  }
0xba: {  	_ =	task [dreg:s22], $0x5FFFF  }
0xbb: {  	[dreg:$0x1] =	wrdreg $0xFFFFFFFF  }
0xbc: {  	[dreg:$0x0] =	wrdreg $0x60  }
0xbd: {  	[dreg:$0x2] =	wrdreg s24  }
0xbe: {  	[dreg:$0x3] =	wrdreg s18  }
0xbf: {  	[dreg:$0x4] =	wrdreg s1  }
0xc0: {  	[dreg:$0x5] =	wrdreg s5  }
0xc1: {  	[dreg:$0x6] =	wrdreg $0x9  }
0xc2: {  	_ =	task.clear_ibuf [dreg:s22], $0x7FFFF;
	_ =	strace $0x9000004F  }
0xc3: {  	s29 =	simm.s32 $0x9;
	_ =	strace $0x80000051  }
0xc4: {  	_ =	swait.ge [sflag:s29], $0x1  }
0xc5: {  	[sflag:s29] =	ssyncadd.s32 $0xFFFFFFFF  }
0xc6: {  	_ =	strace $0x90000051  }
0xc7: {  	_ =	sfence  }
0xc8: {  	s30 =	sld [smem:$0x0];
	_ =	sdelay $0x2  }
0xc9: {  	s31 =	sshll.u32 s1, $0xD;
	s1 =	sshrl.u32 s1, $0x2  }
0xca: {  	s4 =	sand.u32 $0x4000, s31;
	s1 =	sadd.s32 s1, s30  }
0xcb: {  	s0 =	sor.u32 s4, s0;
	s1 =	sshll.u32 s1, $0x11  }
0xcc: {  	s0 =	sor.u32 s1, s0  }
0xcd: {  	s0 =	sadd.s32 $0x8F2B, s0  }
0xce: {  	[sflag:s0] =	ssyncadd.remote.s32 $0x1  }
0xcf: {  	_ =	sfence.sel $0xFFFF  }
0xd0: {  	[dreg:$0x0] =	wrdreg $0xFFFFFFFF;
	(pc) =	sbr.abs _section_cstart, $3  }
0xd1: {  	[dreg:$0x1] =	wrdreg $0xFFFFFFFF  }
0xd2: {  	_ =	task.clear_ibuf [dreg:s22], $0x2FFFF;
	_ =	strace $0x9FFFFFFF  }
0xd3: {  	(tm) =	ssettm $0x7FFFFFFF  }
tec
execute0_lowered:
.L_overlay_start_1:
0x0: {  	(tag) =	ssettag $0x1  }
0x1: {  	s2 =	rddreg [dreg:$0x0]  }
0x2: {  	s9 =	rddreg [dreg:$0x1]  }
0x3: {  	s3 =	rddreg [dreg:$0x2];
	_ =	strace $0x80000050;
	s0 =	simm.s32 $0x1  }
0x4: {  	v0 =	vimm.s32 $0x0;
	[sflag:s0] =	ssyncpa.u1 $0x0;
	s0 =	simm.s32 $0x108  }
0x5: {  	[tilespmem:s0+$0x70] =	vst v0  }
0x6: {  	[tilespmem:s0+$0x60] =	vst v0  }
0x7: {  	[tilespmem:s0+$0x50] =	vst v0  }
0x8: {  	[tilespmem:s0+$0x40] =	vst v0  }
0x9: {  	s1 =	sadd.s32 $0x2000, s2;
	[tilespmem:s0+$0x30] =	vst v0  }
0xa: {  	s15 =	sadd.s32 $0x150200, s2;
	s3 =	sand.u32 $0x1, s3;
	s14 =	sadd.s32 $0x150600, s2;
	[tilespmem:s0+$0x20] =	vst v0  }
0xb: {  	[dreg:$0x5] =	wrdreg s3;
	s16 =	sshll.u32 s3, $0x9;
	s3 =	simm.s32 $0x40;
	[tilespmem:s0+$0x10] =	vst v0  }
.LBB2_1:
0xc: {  	s3 =	sadd.s32 $0x40, s3;
	[tilespmem:s0+$0x0] =	vst v0;
	s0 =	sadd.s32 $0x80, s0  }
0xd: {  	p0 =	slt.u32 s3, $0x3C40;
	[tilespmem:s0+$0x70] =	vst v0  }
0xe: {  	[tilespmem:s0+$0x60] =	vst v0  }
.Ltmp0:
0xf: {  	[tilespmem:s0+$0x50] =	vst v0;
	(pc) =	sbr.rel @p0 .LBB2_1-.Ltmp0, $4  }
0x10: {  	[tilespmem:s0+$0x40] =	vst v0  }
0x11: {  	[tilespmem:s0+$0x30] =	vst v0  }
0x12: {  	[tilespmem:s0+$0x20] =	vst v0  }
0x13: {  	[tilespmem:s0+$0x10] =	vst v0  }
0x14: {  	s5 =	stileid.u32  }
0x15: {  	s2 =	smin.u32 s5, $0x2  }
0x16: {  	s2 =	sadd.s32 s5, s2  }
0x17: {  	p0 =	slt.u32 s5, $0x2;
	s7 =	smul.u32 $0xF0, s2;
	s2 =	simm.s32 $0x1E0  }
0x18: {  	s2 =	simm.s32 @!p0 $0xF0  }
0x19: {  	s2 =	sadd.s32 s2, s7  }
0x1a: {  	s8 =	smin.u32 s2, $0x1000  }
0x1b: {  	s2 =	ssub.s32 s8, s7  }
0x1c: {  	p0 =	sgt.s32 s2, $0x0  }
0x1d: {  	s2 =	simm.s32 @!p0 $0x0  }
0x1e: {  	s30 =	simm.s32 $0x2;
	s10 =	simm.s32 $0x9;
	s3 =	smul.u32 $0x8889, s2  }
0x1f: {  	s4 =	simm.s32 $0xA;
	s11 =	simm.s32 $0xB;
	s12 =	simm.s32 $0x1  }
0x20: {  	s14 =	sadd.s32 s16, s14;
	s15 =	sadd.s32 s16, s15;
	s31 =	sshrl.u32 s3, $0x17  }
0x21: {  	s22 =	simm.s32 $0x0;
	s18 =	simm.s32 $0xC;
	s3 =	smul.u32 $0xF0, s31  }
.Ltmp1:
0x22: {  	[tilespmem:s0+$0x0] =	vst v0;
	v0 =	vimm.s32 $0xFFFFFFFF;
	s20 =	simm.s32 $0x0;
	[sflag:s30] =	ssyncpa.u1 $0x0;
	(pc) =	sbr.rel .LBB2_3-.Ltmp1, $4  }
0x23: {  	[tilespmem:$0xF208] =	vst v0;
	[sflag:s10] =	ssyncpa.u1 $0x0;
	p0 =	sne.s32 s2, s3;
	s2 =	simm.s32 $0x1  }
0x24: {  	s21 =	simm.s32 $0x0;
	[sflag:s4] =	ssyncpa.u1 $0x0;
	s2 =	simm.s32 @!p0 $0x0  }
0x25: {  	s16 =	sshll.u32 s5, $0x8;
	[sflag:s11] =	ssyncpa.u1 $0x0;
	s13 =	sadd.s32 s31, s2  }
0x26: {  	v0 =	vlaneseq.u32;
	s19 =	smov.u32 s7;
	p0 =	por $0x0, $0x0;
	s17 =	sadd.s32 $0x1, s13  }
.LBB2_18:
0x27: {  	s0 =	sshrl.u32 s31, $0x2  }
.LBB2_20:
0x28: {  	_ =	swait.ge [sflag:s18], s0  }
0x29: {  	s31 =	ssub.s32 $0x0, s0;
	v1 =	vmov s25;
	vm0 =	veq.s32 v0, $0x0;
	[sflag:s18] =	ssyncset.done $0x0  }
0x2a: {  	vm15 =	veq.s32 v0, $0x2;
	v1 =	vsel vm0, s30, v1;
	[sflag:s18] =	ssyncadd.s32 s31  }
0x2b: {  	v1 =	vsel vm15, s22, v1;
	[sflag:s18] =	ssyncpa.u1 $0x1  }
0x2c: {  	[tilespmem:$0xF208] =	vst v1  }
.LBB2_21:
0x2d: {  	s0 =	sadd.s32 $0xF0, s19  }
0x2e: {  	s2 =	smov.u32 s7;
	p1 =	slt.s32 s0, s8  }
0x2f: {  	s2 =	smov.u32 @p1 s0;
	p1 =	sne.s32 s21, s17  }
.Ltmp2:
0x30: {  	_ = 	snop;
	(pc) =	sbr.rel @!p1 .LBB2_22-.Ltmp2, $3  }
0x31: {  	_ =	sdelay $0x1  }
0x32: {  	s22 =	smov.u32 s20;
	s31 =	sadd.s32 $0x1, s21;
	s20 =	smov.u32 s19  }
0x33: {  	p0 =	por !p0, !p0;
	s21 =	smov.u32 s31;
	s19 =	smov.u32 s2  }
.LBB2_3:
0x34: {  	p1 =	sge.u32 s21, s13  }
0x35: {  	s0 =	smulhi.u32 @!p1 $0xAAAAAAAB, s21  }
0x36: {  	s2 =	smov.u32 s19;
	p2 =	sgt.s32 @!p1 s19, $0xF10  }
0x37: {  	s3 =	sshra.s32 @!p1 s19, $0x1F;
	p2 =	por !p2, p1;
	s0 =	sshrl.u32 @!p1 s0, $0x1  }
0x38: {  	s3 =	sand.u32 @!p1 s3, s19;
	s2 =	simm.s32 @p2 $0xF10;
	s0 =	smul.u32 @!p1 $0x3, s0  }
0x39: {  	s2 =	ssub.s32 @!p1 s2, s3  }
0x3a: {  	s2 =	sadd.s32 @!p1 $0xFFFFF0F0, s2;
	s0 =	ssub.s32 @!p1 s21, s0  }
0x3b: {  	s3 =	sshll.u32 @!p1 s2, $0x2;
	p2 =	sgt.s32 @!p1 s2, $0xEF;
	s0 =	smul.u32 @!p1 $0x3C0, s0  }
0x3c: {  	s4 =	sand.u32 @!p1 $0x7, s19;
	s2 =	ssub.s32 @!p1 $0x3C0, s3;
	p2 =	por !p2, p1  }
0x3d: {  	s3 =	sshrl.u32 @!p1 s19, $0x3;
	s2 =	sshrl.u32 @!p1 s2, $0x2;
	s0 =	sshrl.u32 @!p1 s0, $0x2  }
0x3e: {  	s3 =	sadd.s32 @!p1 s3, s14;
	s2 =	simm.s32 @!p2 $0x0;
	s0 =	sadd.s32 @!p1 $0x10248, s0  }
0x3f: {  	[tilespmem:s0], [sflag:$0xA] =	stream.linear.gather @!p1 [hbm4b:s3+s4], s2, $0x38;
	[tilespmem:$0x1F6F8] =	vst v63  }
0x40: {  	s0 =	sadd.s32 $0xFFFFFFFF, s21  }
0x41: {  	p1 =	sge.u32 s0, s13  }
0x42: {  	p2 =	sgt.s32 @!p1 s20, $0xF10  }
0x43: {  	s2 =	smov.u32 s20;
	s3 =	sshra.s32 @!p1 s20, $0x1F;
	p2 =	por !p2, p1  }
0x44: {  	s3 =	sand.u32 @!p1 s3, s20;
	s2 =	simm.s32 @p2 $0xF10  }
0x45: {  	s2 =	ssub.s32 @!p1 s2, s3  }
0x46: {  	s2 =	sadd.s32 @!p1 $0xFFFFF0F0, s2  }
0x47: {  	s4 =	sand.u32 @!p1 $0x1, s0;
	s3 =	sshll.u32 @!p1 s2, $0x2  }
0x48: {  	p2 =	sgt.s32 @!p1 s2, $0xEF;
	s2 =	ssub.s32 @!p1 $0x3C0, s3;
	s3 =	smulhi.u32 @!p1 $0xAAAAAAAB, s0  }
0x49: {  	s23 =	smul.u32 @!p1 $0x3C0, s4;
	p2 =	por !p2, p1;
	s2 =	sshrl.u32 @!p1 s2, $0x2  }
0x4a: {  	s5 =	simm.s32 @!p1 $0xA;
	s2 =	simm.s32 @!p2 $0x0;
	s3 =	sshrl.u32 @!p1 s3, $0x1  }
0x4b: {  	s23 =	sshrl.u32 @!p1 s23, $0x2;
	_ =	swait.ge @!p1 [sflag:s5], s2;
	s3 =	smul.u32 @!p1 $0x3, s3  }
0x4c: {  	s23 =	sadd.s32 @!p1 $0x10518, s23;
	s24 =	ssub.s32 @!p1 $0x0, s2;
	[sflag:s5] =	ssyncset.done @!p1 $0x0  }
0x4d: {  	[sflag:s5] =	ssyncadd.s32 @!p1 s24;
	s5 =	sshrl.u32 @!p1 s20, $0x3;
	s0 =	ssub.s32 @!p1 s0, s3  }
0x4e: {  	s24 =	sand.u32 @!p1 $0x7, s20;
	s5 =	sadd.s32 @!p1 s5, s15;
	s0 =	smul.u32 @!p1 $0x3C0, s0  }
0x4f: {  	[tilespmem:s23], [sflag:$0xB] =	stream.linear.gather @!p1 [hbm4b:s5+s24], s2, $0x38;
	[tilespmem:$0x1F6F8] =	vst v63  }
0x50: {  	s3 =	ssub.s32 @!p1 $0x1000, s20;
	s2 =	smul.u32 @!p1 $0x1E000, s4  }
0x51: {  	p2 =	slt.s32 @!p1 s3, $0xF0  }
0x52: {  	p2 =	por !p2, p1;
	s0 =	sshrl.u32 @!p1 s0, $0x2;
	s2 =	sshrl.u32 @!p1 s2, $0x2  }
0x53: {  	s3 =	simm.s32 @p2 $0xF0;
	s0 =	sadd.s32 @!p1 $0x10248, s0;
	s2 =	sor.u32 @!p1 $0x106F8, s2  }
0x54: {  	[tilespmem:s2], [sflag:$0x9] =	stream.indirect.gather @!p1 [hbm4b:s9+s3], $0x80, s0, s3, $0xb8;
	[tilespmem:$0x1F6F8] =	vst v63  }
0x55: {  	p1 =	slt.u32 s21, $0x2  }
.Ltmp3:
0x56: {  	_ = 	snop;
	(pc) =	sbr.rel @p1 .LBB2_21-.Ltmp3, $1  }
0x57: {  	_ =	sdelay $0x3  }
0x58: {  	p1 =	sgt.s32 s22, $0xF10  }
0x59: {  	s0 =	smov.u32 s22;
	s2 =	sshra.s32 s22, $0x1F;
	s3 =	ssub.s32 $0x1000, s22  }
0x5a: {  	s0 =	simm.s32 @!p1 $0xF10;
	s2 =	sand.u32 s2, s22;
	p1 =	slt.s32 s3, $0xF0  }
0x5b: {  	s0 =	ssub.s32 s0, s2;
	s3 =	simm.s32 @!p1 $0xF0  }
0x5c: {  	s0 =	sadd.s32 $0xFFFFF0F0, s0;
	s25 =	sshll.u32 s3, $0x7  }
0x5d: {  	s26 =	sshll.u32 s0, $0x2;
	s2 =	sand.u32 $0x3FFFFF80, s25  }
0x5e: {  	p1 =	sgt.s32 s0, $0xEF;
	s29 =	ssub.s32 $0x3C0, s26;
	_ =	swait.ge [sflag:s10], s2  }
0x5f: {  	s2 =	ssub.s32 $0x0, s2;
	[sflag:s10] =	ssyncset.done $0x0;
	s0 =	sshrl.u32 s29, $0x2  }
0x60: {  	[sflag:s10] =	ssyncadd.s32 s2;
	s0 =	simm.s32 @p1 $0x0  }
0x61: {  	_ =	swait.ge [sflag:s11], s0  }
0x62: {  	s0 =	ssub.s32 $0x0, s0;
	[sflag:s11] =	ssyncset.done $0x0  }
0x63: {  	[sflag:s11] =	ssyncadd.s32 s0  }
0x64: {  	v1 =	vld [tilespmem:$0xF208];
	_ =	sdelay $0x4  }
0x65: {  	(v2sf) =	vpush v1, $0x0  }
0x66: {  	(v2sf) =	vpush v1, $0x1  }
0x67: {  	(v2sf) =	vpush v1, $0x2;
	_ =	sdelay $0x3  }
0x68: {  	s0 =	sadd.s32 $0xF0, s22  }
0x69: {  	s2 =	ssub.s32 $0x2000, s22;
	p1 =	slt.s32 s8, s0  }
0x6a: {  	s0 =	smov.u32 @p1 s8;
	p1 =	sgt.s32 s2, $0x0  }
0x6b: {  	s23 =	ssub.s32 s0, s22;
	s2 =	simm.s32 @!p1 $0x0  }
0x6c: {  	p1 =	slt.s32 s2, s23  }
0x6d: {  	s23 =	smov.u32 @p1 s2  }
0x6e: {  	s26 =	simm.s32 $0x1;
	p1 =	slt.s32 s23, $0x1  }
.Ltmp4:
0x6f: {  	s26 =	simm.s32 @!p0 $0x0;
	(pc) =	sbr.rel @p1 .LBB2_8-.Ltmp4, $4  }
0x70: {  	s31 =	smul.u32 $0x3C0, s26  }
0x71: {  	s28 =	spop (v2sf)  }
0x72: {  	s0 =	sshrl.u32 s31, $0x2;
	s30 =	spop (v2sf)  }
0x73: {  	s24 =	sadd.s32 $0x10518, s0;
	s22 =	spop (v2sf)  }
0x74: {  	s0 =	smin.u32 s23, $0x10  }
0x75: {  	v1 =	vmov s0  }
0x76: {  	p2 =	sgt.s32 s23, $0x10;
	vm1 =	vgt.u32 v1, v0  }
.Ltmp5:
0x77: {  	_ = 	snop;
	(pc) =	sbr.rel @!p2 .LBB2_7-.Ltmp5, $2  }
0x78: {  	_ =	sdelay $0x2  }
0x79: {  	s4 =	simm.s32 $0x10;
	s25 =	sadd.s32 $0xFFFFFFF0, s23;
	s0 =	smov.u32 s24;
	vm0 =	vmmov vm1  }
.LBB2_6:
0x7a: {  	s2 =	smin.u32 s25, $0x10;
	s4 =	sadd.s32 $0x10, s4;
	v1 =	vld.msk [tilespmem:s0+$0x0 ss:$0x1], vm1  }
0x7b: {  	v2 =	vmov s2;
	p2 =	slt.s32 s4, s23  }
0x7c: {  	vm1 =	vgt.u32 v2, v0  }
.Ltmp6:
0x7d: {  	(pc) =	sbr.rel @p2 .LBB2_6-.Ltmp6, $3  }
0x7e: {  	_ =	sdelay $0x1  }
0x7f: {  	v1 =	vshll.u32 v1, $0x4  }
0x80: {  	s25 =	sadd.s32 $0xFFFFFFF0, s25;
	[tilespmem:s0+$0x0] =	vst.msk vm0, v1;
	s0 =	sadd.s32 $0x10, s0;
	vm0 =	vmmov vm1  }
.LBB2_7:
0x81: {  	_ =	sdelay $0x4  }
0x82: {  	v1 =	vld.msk [tilespmem:s0+$0x0 ss:$0x1], vm1;
	_ =	sdelay $0x4  }
0x83: {  	v1 =	vshll.u32 v1, $0x4  }
0x84: {  	[tilespmem:s0+$0x0] =	vst.msk vm0, v1  }
.LBB2_8:
0x85: {  	s0 =	sand.u32 $0x1, s21  }
0x86: {  	s0 =	smul.u32 $0xF0, s0  }
0x87: {  	p2 =	sne.s32 s30, $0xFFFFFFFF  }
0x88: {  	v1 =	vld.msk @!p2 [tilespmem:s0+$0x10518], $0x1;
	_ =	sdelay $0x4  }
0x89: {  	(v2sf) =	vpush @!p2 v1, $0x0;
	_ =	sdelay $0xc  }
.Ltmp7:
0x8a: {  	_ = 	snop;
	(pc) =	sbr.rel @p1 .LBB2_19-.Ltmp7, $4  }
0x8b: {  	_ = 	snop  }
0x8c: {  	s29 =	spop @!p2 (v2sf)  }
0x8d: {  	s22 =	simm.s32 @!p2 $0x0;
	s25 =	smov.u32 s29  }
0x8e: {  	[sflag:s18] =	ssyncpa.u1 $0x0;
	s29 =	smov.u32 @p2 s28;
	s25 =	smov.u32 @p2 s30  }
0x8f: {  	v1 =	vld.msk [tilespmem:s24+$0x0], $0x1;
	_ =	sdelay $0x4  }
0x90: {  	(v2sf) =	vpush v1, $0x0;
	_ =	sdelay $0xe  }
0x91: {  	s2 =	smul.u32 $0x1E000, s26;
	s0 =	spop (v2sf)  }
0x92: {  	p1 =	seq.s32 s29, s0  }
0x93: {  	s30 =	sadd.s32 $0xFFFFFFFF, s23;
	s2 =	sshrl.u32 s2, $0x2;
	p2 =	sgt.s32 @!p1 s29, $0x0  }
0x94: {  	s26 =	sor.u32 $0x10738, s2;
	s2 =	smov.u32 s29;
	p2 =	por !p2, p1  }
0x95: {  	s2 =	simm.s32 @p2 $0x0;
	p2 =	sne.s32 s30, $0x0  }
.Ltmp8:
0x96: {  	_ = 	snop;
	(pc) =	sbr.rel @!p2 .LBB2_11-.Ltmp8, $4  }
0x97: {  	_ = 	snop  }
0x98: {  	s28 =	simm.s32 $0x0;
	s31 =	sadd.s32 $0x1, s24;
	s2 =	smin.u32 @!p1 s2, $0xFFFF0  }
0x99: {  	s4 =	simm.s32 @!p1 $0x1;
	s5 =	simm.s32 @!p1 $0x7988;
	s3 =	sand.u32 @!p1 $0xFFFF8, s2  }
0x9a: {  	s4 =	smov.u32 @p1 s28;
	s2 =	sand.u32 @!p1 $0x7, s2;
	s3 =	sadd.s32 @!p1 s1, s3  }
.LBB2_10:
0x9b: {  	s6 =	smov.u32 s4  }
0x9c: {  	[tilespmem:s5], [sflag:$0x2] =	stream.linear.gather @!p1 [hbm4b:s3+s2], $0x80, $0x38;
	[tilespmem:$0x1F6F8] =	vst v63  }
0x9d: {  	s30 =	sadd.s32 $0xFFFFFFFF, s30;
	s2 =	smov.u32 s0;
	v1 =	vld.msk [tilespmem:s31+$0x0], $0x1  }
0x9e: {  	p2 =	sne.s32 s30, $0x0;
	_ =	sdelay $0x3  }
0x9f: {  	(v2sf) =	vpush v1, $0x0;
	_ =	sdelay $0xe  }
0xa0: {  	s0 =	spop (v2sf)  }
0xa1: {  	p1 =	seq.s32 s2, s0  }
0xa2: {  	p3 =	sgt.s32 @!p1 s2, $0x0;
	s3 =	sshll.u32 @!p1 s4, $0x9;
	s4 =	sadd.s32 @!p1 $0x1, s4  }
.Ltmp9:
0xa3: {  	p3 =	por !p3, p1;
	s3 =	sshra.s32 @!p1 s3, $0x2;
	(pc) =	sbr.rel @p2 .LBB2_10-.Ltmp9, $4  }
0xa4: {  	s4 =	smov.u32 @p1 s6;
	s2 =	simm.s32 @p3 $0x0;
	s5 =	sadd.s32 @!p1 $0x7988, s3  }
0xa5: {  	s2 =	smin.u32 @!p1 s2, $0xFFFF0  }
0xa6: {  	s3 =	sand.u32 @!p1 $0xFFFF8, s2;
	s2 =	sand.u32 @!p1 $0x7, s2  }
0xa7: {  	s31 =	sadd.s32 $0x1, s31;
	s3 =	sadd.s32 @!p1 s1, s3  }
.LBB2_11:
0xa8: {  	[tilespmem:s5], [sflag:$0x2] =	stream.linear.gather @!p1 [hbm4b:s3+s2], $0x80, $0x38;
	[tilespmem:$0x1F6F8] =	vst v63  }
.Ltmp10:
0xa9: {  	s0 =	sshll.u32 s4, $0x7;
	(pc) =	sbr.rel .LBB2_12-.Ltmp10, $4  }
0xaa: {  	s30 =	simm.s32 $0x2;
	s0 =	sand.u32 $0x3FFFFF80, s0  }
0xab: {  	_ =	swait.ge [sflag:s30], s0  }
0xac: {  	s0 =	ssub.s32 $0x0, s0;
	[sflag:s30] =	ssyncset.done $0x0  }
0xad: {  	s31 =	simm.s32 $0x0;
	[sflag:s30] =	ssyncadd.s32 s0  }
.LBB2_13:
0xae: {  	v1 =	vld [tilespmem:s26+$0xFFFFFFC0];
	_ =	sdelay $0x3  }
0xaf: {  	s0 =	sshra.s32 s0, $0x2  }
0xb0: {  	[tilespmem:s0+$0x108] =	vst.add.f32.msk $0xffff, v1  }
0xb1: {  	v1 =	vld [tilespmem:s26+$0xFFFFFFD0];
	_ =	sdelay $0x4  }
0xb2: {  	[tilespmem:s0+$0x118] =	vst.add.f32.msk $0xffff, v1  }
0xb3: {  	v1 =	vld [tilespmem:s26+$0xFFFFFFE0];
	_ =	sdelay $0x4  }
0xb4: {  	[tilespmem:s0+$0x128] =	vst.add.f32.msk $0xffff, v1  }
0xb5: {  	v1 =	vld [tilespmem:s26+$0xFFFFFFF0];
	_ =	sdelay $0x4  }
0xb6: {  	[tilespmem:s0+$0x138] =	vst.add.f32.msk $0xffff, v1  }
0xb7: {  	v1 =	vld [tilespmem:s26+$0x0];
	_ =	sdelay $0x4  }
0xb8: {  	[tilespmem:s0+$0x148] =	vst.add.f32.msk $0xffff, v1  }
0xb9: {  	v1 =	vld [tilespmem:s26+$0x10];
	_ =	sdelay $0x4  }
0xba: {  	[tilespmem:s0+$0x158] =	vst.add.f32.msk $0xffff, v1  }
0xbb: {  	v1 =	vld [tilespmem:s26+$0x20];
	_ =	sdelay $0x4  }
0xbc: {  	[tilespmem:s0+$0x168] =	vst.add.f32.msk $0xffff, v1  }
0xbd: {  	v1 =	vld [tilespmem:s26+$0x30];
	_ =	sdelay $0x4  }
0xbe: {  	[tilespmem:s0+$0x178] =	vst.add.f32.msk $0xffff, v1  }
.LBB2_17:
0xbf: {  	s23 =	sadd.s32 $0xFFFFFFFF, s23  }
0xc0: {  	p1 =	sne.s32 s23, $0x0  }
.Ltmp11:
0xc1: {  	_ = 	snop;
	(pc) =	sbr.rel @!p1 .LBB2_18-.Ltmp11, $2  }
0xc2: {  	_ =	sdelay $0x2  }
0xc3: {  	s24 =	sadd.s32 $0x1, s24;
	s26 =	sadd.s32 $0x80, s26;
	s29 =	smov.u32 s30  }
.LBB2_12:
0xc4: {  	v1 =	vld.msk [tilespmem:s24+$0x0], $0x1;
	_ =	sdelay $0x4  }
0xc5: {  	(v2sf) =	vpush v1, $0x0;
	_ =	sdelay $0xe  }
0xc6: {  	s30 =	spop (v2sf)  }
0xc7: {  	p1 =	sne.s32 s29, s30  }
.Ltmp12:
0xc8: {  	_ = 	snop;
	(pc) =	sbr.rel @!p1 .LBB2_13-.Ltmp12, $2  }
0xc9: {  	_ =	sdelay $0x2  }
0xca: {  	s0 =	sshll.u32 s22, $0x9  }
0xcb: {  	p1 =	seq.s32 s29, s25  }
.Ltmp13:
0xcc: {  	_ = 	snop;
	(pc) =	sbr.rel @!p1 .LBB2_15-.Ltmp13, $1  }
0xcd: {  	_ =	sdelay $0x3  }
0xce: {  	s0 =	sshra.s32 s0, $0x2  }
.Ltmp14:
0xcf: {  	s0 =	sadd.s32 $0x108, s0;
	(pc) =	sbr.rel .LBB2_16-.Ltmp14, $4  }
0xd0: {  	[spmem:s16] =	stream.linear.scatter [tilespmem:s0], [sflag:$0x1], $0x80, $0x38;
	[tilespmem:$0x1F6F8] =	vst v63  }
0xd1: {  	_ =	swait.ge [sflag:s12], $0x80  }
0xd2: {  	[sflag:s12] =	ssyncset.done $0x0  }
0xd3: {  	[sflag:s12] =	ssyncadd.s32 $0xFFFFFF80  }
.LBB2_15:
0xd4: {  	s2 =	sshll.u32 s28, $0x9  }
0xd5: {  	s2 =	sshra.s32 s2, $0x2  }
0xd6: {  	v1 =	vld [tilespmem:s2+$0x7988];
	_ =	sdelay $0x3  }
0xd7: {  	s0 =	sshra.s32 s0, $0x2  }
0xd8: {  	[tilespmem:s0+$0x108] =	vst.add.f32.msk $0xffff, v1  }
0xd9: {  	v1 =	vld [tilespmem:s2+$0x7998];
	_ =	sdelay $0x4  }
0xda: {  	[tilespmem:s0+$0x118] =	vst.add.f32.msk $0xffff, v1  }
0xdb: {  	v1 =	vld [tilespmem:s2+$0x79A8];
	_ =	sdelay $0x4  }
0xdc: {  	[tilespmem:s0+$0x128] =	vst.add.f32.msk $0xffff, v1  }
0xdd: {  	v1 =	vld [tilespmem:s2+$0x79B8];
	_ =	sdelay $0x4  }
0xde: {  	[tilespmem:s0+$0x138] =	vst.add.f32.msk $0xffff, v1  }
0xdf: {  	v1 =	vld [tilespmem:s2+$0x79C8];
	_ =	sdelay $0x4  }
0xe0: {  	[tilespmem:s0+$0x148] =	vst.add.f32.msk $0xffff, v1  }
0xe1: {  	v1 =	vld [tilespmem:s2+$0x79D8];
	_ =	sdelay $0x4  }
0xe2: {  	[tilespmem:s0+$0x158] =	vst.add.f32.msk $0xffff, v1  }
0xe3: {  	v1 =	vld [tilespmem:s2+$0x79E8];
	_ =	sdelay $0x4  }
0xe4: {  	[tilespmem:s0+$0x168] =	vst.add.f32.msk $0xffff, v1  }
0xe5: {  	v1 =	vld [tilespmem:s2+$0x79F8];
	_ =	sdelay $0x2  }
0xe6: {  	p1 =	sgt.u32 s29, $0xFFFF0  }
0xe7: {  	s2 =	sand.u32 @!p1 $0xFFFF8, s29  }
0xe8: {  	s3 =	sadd.s32 $0x108, s0;
	[tilespmem:s0+$0x178] =	vst.add.f32.msk $0xffff, v1;
	s0 =	sadd.s32 @!p1 s1, s2;
	s2 =	sand.u32 @!p1 $0x7, s29  }
0xe9: {  	[hbm4b:s0+s2] =	stream.linear.scatter @!p1 [tilespmem:s3], [sflag:$0xC], $0x80, $0x38;
	[tilespmem:$0x1F6F8] =	vst v63  }
0xea: {  	s0 =	simm.s32 $0x0  }
0xeb: {  	s0 =	simm.s32 @!p1 $0x200  }
0xec: {  	s31 =	sadd.s32 s0, s31  }
.LBB2_16:
0xed: {  	s0 =	sadd.s32 $0x1, s22  }
0xee: {  	s2 =	smulhi.u32 $0x88888889, s0;
	_ =	sdelay $0x1  }
0xef: {  	v1 =	vld [tilespmem:s26+$0xFFFFFFC0];
	s2 =	sshrl.u32 s2, $0x7  }
0xf0: {  	s2 =	smul.u32 $0xF0, s2;
	_ =	sdelay $0x1  }
0xf1: {  	s22 =	ssub.s32 s0, s2  }
0xf2: {  	s0 =	sshll.u32 s22, $0x7  }
0xf3: {  	[tilespmem:s0+$0x108] =	vst v1  }
0xf4: {  	v1 =	vld [tilespmem:s26+$0xFFFFFFD0];
	_ =	sdelay $0x4  }
0xf5: {  	[tilespmem:s0+$0x118] =	vst v1  }
0xf6: {  	v1 =	vld [tilespmem:s26+$0xFFFFFFE0];
	_ =	sdelay $0x4  }
0xf7: {  	[tilespmem:s0+$0x128] =	vst v1  }
0xf8: {  	v1 =	vld [tilespmem:s26+$0xFFFFFFF0];
	_ =	sdelay $0x4  }
0xf9: {  	[tilespmem:s0+$0x138] =	vst v1  }
0xfa: {  	v1 =	vld [tilespmem:s26+$0x0];
	_ =	sdelay $0x4  }
0xfb: {  	[tilespmem:s0+$0x148] =	vst v1  }
0xfc: {  	v1 =	vld [tilespmem:s26+$0x10];
	_ =	sdelay $0x4  }
0xfd: {  	[tilespmem:s0+$0x158] =	vst v1  }
0xfe: {  	v1 =	vld [tilespmem:s26+$0x20];
	_ =	sdelay $0x4  }
0xff: {  	[tilespmem:s0+$0x168] =	vst v1  }
0x100: {  	v1 =	vld [tilespmem:s26+$0x30]  }
.Ltmp15:
0x101: {  	_ = 	snop;
	(pc) =	sbr.rel .LBB2_17-.Ltmp15, $2  }
0x102: {  	_ =	sdelay $0x2  }
0x103: {  	s28 =	sadd.s32 $0x1, s28;
	[tilespmem:s0+$0x178] =	vst v1  }
.LBB2_19:
.Ltmp16:
0x104: {  	(pc) =	sbr.rel .LBB2_20-.Ltmp16, $4  }
0x105: {  	_ = 	snop  }
0x106: {  	s0 =	simm.s32 $0x2  }
0x107: {  	_ =	swait.ge [sflag:s0], $0x0  }
0x108: {  	s30 =	smov.u32 s29;
	[sflag:s0] =	ssyncset.done $0x0;
	s0 =	simm.s32 $0x0  }
.LBB2_22:
0x109: {  	_ =	sfence.sel $0x180000  }
0x10a: {  	s0 =	simm.s32 $0x9;
	[bflag:$0x0] =	sbarrier.arrive $0xFFFF  }
0x10b: {  	s24 =	simm.s32 $0xA;
	[sflag:s0] =	ssyncpa.u1 $0x1  }
0x10c: {  	s25 =	simm.s32 $0xB;
	[sflag:s24] =	ssyncpa.u1 $0x1  }
0x10d: {  	s26 =	simm.s32 $0x2;
	[sflag:s25] =	ssyncpa.u1 $0x1  }
0x10e: {  	[sflag:s26] =	ssyncpa.u1 $0x1  }
0x10f: {  	v0 =	vld [tilespmem:$0xF208];
	_ =	sdelay $0x4  }
0x110: {  	(v2sf) =	vpush v0, $0x0  }
0x111: {  	(v2sf) =	vpush v0, $0x1;
	_ =	sdelay $0x1  }
0x112: {  	(v2sf) =	vpush v0, $0x2;
	_ =	sdelay $0xb  }
0x113: {  	s0 =	spop (v2sf)  }
0x114: {  	s2 =	spop (v2sf)  }
0x115: {  	s3 =	smov.u32 s0;
	p0 =	sne.s32 s0, s2  }
0x116: {  	s4 =	spop (v2sf);
	s3 =	simm.s32 @!p0 $0xFFFFFFFF  }
0x117: {  	v2 =	vimm.s32 $0x1;
	v3 =	vlaneseq.u32;
	p0 =	seq.s32 s4, $0xFFFFFFFF;
	v1 =	vmov s3  }
0x118: {  	s16 =	stileid.u32;
	v0 =	vperm.xlane v0, v2;
	p1 =	sne.s32 @!p0 s0, s2;
	v1 =	vperm.xlane v1, v3  }
0x119: {  	vm0 =	vcmask $0x3F04;
	s6 =	simm.s32 $0xF208;
	s0 =	simm.s32 @!p0 $0x1;
	p1 =	por !p1, p0  }
0x11a: {  	s3 =	sshll.u32 s16, $0x1;
	s2 =	sshll.u32 @!p0 s4, $0x9;
	s0 =	simm.s32 @p1 $0x0;
	v0 =	vsel vm0, v1, v0  }
0x11b: {  	s5 =	sor.u32 $0x1000, s3;
	s2 =	sshra.s32 @!p0 s2, $0x2;
	s0 =	sor.u32 @!p0 s0, s3;
	[tilespmem:$0xF208] =	vst v0  }
0x11c: {  	[spmem:s5] =	stream.linear.scatter [tilespmem:s6], [sflag:$0x1], $0x2, $0x38;
	[tilespmem:$0x1F6F8] =	vst v63  }
0x11d: {  	s2 =	sadd.s32 @!p0 $0x108, s2;
	s0 =	sshll.u32 @!p0 s0, $0x7  }
0x11e: {  	[spmem:s0] =	stream.linear.scatter @!p0 [tilespmem:s2], [sflag:$0x1], $0x80, $0x38;
	[tilespmem:$0x1F6F8] =	vst v63  }
0x11f: {  	s0 =	simm.s32 @!p0 $0x82  }
0x120: {  	s28 =	simm.s32 $0x1;
	s0 =	simm.s32 @p0 $0x2  }
0x121: {  	_ =	swait.ge [sflag:s28], s0  }
0x122: {  	s0 =	ssub.s32 $0x0, s0;
	[sflag:s28] =	ssyncset.done $0x0  }
0x123: {  	p0 =	sne.s32 s16, $0x0;
	[sflag:s28] =	ssyncadd.s32 s0  }
.Ltmp17:
0x124: {  	_ =	sfence.stream.spmem;
	(pc) =	sbr.rel @p0 .LBB2_39-.Ltmp17, $4  }
0x125: {  	s29 =	simm.s32 $0x3;
	[bflag:$0x0] =	sbarrier.arrive $0xFFFF  }
0x126: {  	s30 =	simm.s32 $0x4;
	[sflag:s29] =	ssyncpa.u1 $0x1  }
0x127: {  	s31 =	simm.s32 $0x3C;
	[sflag:s30] =	ssyncpa.u1 $0x1  }
0x128: {  	s15 =	rddreg [dreg:$0x5];
	[sflag:s31] =	ssyncpa.u1 $0x1  }
0x129: {  	_ =	sfence.stream.spmem;
	s0 =	simm.s32 $0x5  }
0x12a: {  	s2 =	simm.s32 $0x1000;
	s3 =	simm.s32 $0xF218;
	[sflag:s0] =	ssyncpa.u1 $0x0  }
0x12b: {  	[tilespmem:s3], [sflag:$0x5] =	stream.linear.gather [spmem:s2], $0x20, $0x38;
	[tilespmem:$0x1F6F8] =	vst v63  }
0x12c: {  	s26 =	simm.s32 $0x0;
	s28 =	simm.s32 $0xF238  }
0x12d: {  	[tilespmem:s28], [sflag:$0x5] =	stream.linear.gather [spmem:s26], $0x1000, $0x38;
	[tilespmem:$0x1F6F8] =	vst v63  }
0x12e: {  	_ =	swait.ge [sflag:s0], $0x1020  }
0x12f: {  	[sflag:s0] =	ssyncset.done $0x0  }
0x130: {  	s29 =	simm.s32 $0x0;
	[sflag:s0] =	ssyncadd.s32 $0xFFFFEFE0  }
0x131: {  	v0 =	vld.msk [tilespmem:s29+$0xF218], $0x1;
	_ =	sdelay $0x1  }
0x132: {  	s30 =	simm.s32 $0x1  }
0x133: {  	v1 =	vld.msk [tilespmem:s30+$0xF218], $0x1;
	_ =	sdelay $0x1  }
0x134: {  	(v2sf) =	vpush v0, $0x0;
	_ =	sdelay $0x2  }
0x135: {  	(v2sf) =	vpush v1, $0x0;
	_ =	sdelay $0x2  }
0x136: {  	s31 =	simm.s32 $0x2  }
0x137: {  	v0 =	vld.msk [tilespmem:s31+$0xF218], $0x1;
	_ =	sdelay $0x2  }
0x138: {  	s4 =	simm.s32 $0xFFFFFFFF;
	s5 =	simm.s32 $0xFFFFFFFF;
	s0 =	simm.s32 $0xC  }
.LBB2_24:
0x139: {  	s2 =	smov.u32 s5;
	s3 =	smov.u32 s4  }
0x13a: {  	s4 =	sshra.s32 s0, $0x2;
	p1 =	sne.s32 s0, $0x7C;
	s0 =	sadd.s32 $0x4, s0;
	(v2sf) =	vpush v0, $0x0  }
0x13b: {  	v0 =	vld.msk [tilespmem:s4+$0xF218], $0x1  }
.Ltmp18:
0x13c: {  	(pc) =	sbr.rel @p1 .LBB2_24-.Ltmp18, $4  }
0x13d: {  	s5 =	spop (v2sf)  }
0x13e: {  	p2 =	sne.s32 s3, $0xFFFFFFFF;
	s4 =	smov.u32 s5  }
0x13f: {  	p3 =	seq.s32 s5, $0xFFFFFFFF;
	s4 =	smov.u32 @p2 s3  }
0x140: {  	s5 =	smov.u32 @p3 s2;
	s4 =	smov.u32 @p3 s3  }
0x141: {  	(v2sf) =	vpush v0, $0x0;
	_ =	sdelay $0x8  }
0x142: {  	s0 =	spop (v2sf)  }
0x143: {  	p1 =	sne.s32 s4, $0xFFFFFFFF;
	s2 =	smov.u32 s0  }
0x144: {  	s9 =	simm.s32 $0x6;
	p2 =	seq.s32 s0, $0xFFFFFFFF;
	s2 =	smov.u32 @p1 s4  }
0x145: {  	s6 =	simm.s32 $0x0;
	s2 =	smov.u32 @p2 s4;
	s3 =	spop (v2sf)  }
0x146: {  	s0 =	smov.u32 @p2 s5;
	p1 =	sne.s32 s2, $0xFFFFFFFF;
	s4 =	smov.u32 s3  }
.Ltmp19:
0x147: {  	p2 =	seq.s32 s3, $0xFFFFFFFF;
	s4 =	smov.u32 @p1 s2;
	(pc) =	sbr.rel .LBB2_26-.Ltmp19, $4  }
0x148: {  	s10 =	simm.s32 $0xF188;
	s4 =	smov.u32 @p2 s2;
	s7 =	spop (v2sf)  }
0x149: {  	s11 =	simm.s32 $0x0;
	p1 =	sne.s32 s4, $0xFFFFFFFF;
	s8 =	smov.u32 s7  }
0x14a: {  	s3 =	smov.u32 @p2 s0;
	p2 =	seq.s32 s7, $0xFFFFFFFF;
	s8 =	smov.u32 @p1 s4  }
0x14b: {  	[sflag:s9] =	ssyncpa.u1 $0x0;
	s7 =	smov.u32 @p2 s3;
	s8 =	smov.u32 @p2 s4  }
.LBB2_32:
0x14c: {  	p1 =	sgt.u32 s12, $0xFFFF0  }
0x14d: {  	p2 =	seq.s32 @!p1 s12, s8  }
0x14e: {  	p1 =	por p1, p2  }
0x14f: {  	p2 =	sne.s32 @!p1 s12, s7  }
0x150: {  	p1 =	por p1, !p2  }
0x151: {  	s0 =	sshll.u32 @p1 s11, $0x9  }
0x152: {  	s0 =	sand.u32 @!p1 $0xFFFF8, s12  }
0x153: {  	s2 =	sand.u32 @!p1 $0x7, s12;
	s0 =	sadd.s32 @!p1 s1, s0  }
0x154: {  	[tilespmem:s10], [sflag:$0x6] =	stream.linear.gather @!p1 [hbm4b:s0+s2], $0x80, $0x38;
	[tilespmem:$0x1F6F8] =	vst v63  }
0x155: {  	_ =	swait.ge @!p1 [sflag:s9], $0x80  }
0x156: {  	[sflag:s9] =	ssyncset.done @!p1 $0x0  }
0x157: {  	[sflag:s9] =	ssyncadd.s32 @!p1 $0xFFFFFF80  }
0x158: {  	v1 =	vld @!p1 [tilespmem:$0xF188];
	_ =	sdelay $0x2  }
0x159: {  	s0 =	sshll.u32 @!p1 s11, $0x9  }
0x15a: {  	s2 =	sshrl.u32 @!p1 s0, $0x2  }
0x15b: {  	[tilespmem:s2+$0xF238] =	vst.add.f32.msk @!p1 $0xffff, v1  }
0x15c: {  	v1 =	vld @!p1 [tilespmem:$0xF198];
	_ =	sdelay $0x4  }
0x15d: {  	[tilespmem:s2+$0xF248] =	vst.add.f32.msk @!p1 $0xffff, v1  }
0x15e: {  	v1 =	vld @!p1 [tilespmem:$0xF1A8];
	_ =	sdelay $0x4  }
0x15f: {  	[tilespmem:s2+$0xF258] =	vst.add.f32.msk @!p1 $0xffff, v1  }
0x160: {  	v1 =	vld @!p1 [tilespmem:$0xF1B8];
	_ =	sdelay $0x4  }
0x161: {  	[tilespmem:s2+$0xF268] =	vst.add.f32.msk @!p1 $0xffff, v1  }
0x162: {  	v1 =	vld @!p1 [tilespmem:$0xF1C8];
	_ =	sdelay $0x4  }
0x163: {  	[tilespmem:s2+$0xF278] =	vst.add.f32.msk @!p1 $0xffff, v1  }
0x164: {  	v1 =	vld @!p1 [tilespmem:$0xF1D8];
	_ =	sdelay $0x4  }
0x165: {  	[tilespmem:s2+$0xF288] =	vst.add.f32.msk @!p1 $0xffff, v1  }
0x166: {  	v1 =	vld @!p1 [tilespmem:$0xF1E8];
	_ =	sdelay $0x4  }
0x167: {  	[tilespmem:s2+$0xF298] =	vst.add.f32.msk @!p1 $0xffff, v1  }
0x168: {  	v1 =	vld @!p1 [tilespmem:$0xF1F8];
	_ =	sdelay $0x4  }
0x169: {  	[tilespmem:s2+$0xF2A8] =	vst.add.f32.msk @!p1 $0xffff, v1  }
0x16a: {  	s0 =	sshrl.u32 s0, $0x2;
	[tilespmem:s6+$0xF218] =	vst.msk $0x1, v0  }
0x16b: {  	v0 =	vld [tilespmem:s0+$0xF238];
	_ =	sdelay $0x2  }
0x16c: {  	s31 =	sshll.u32 s6, $0x9  }
0x16d: {  	s2 =	sshra.s32 s31, $0x2  }
0x16e: {  	[tilespmem:s2+$0xF238] =	vst v0  }
0x16f: {  	v0 =	vld [tilespmem:s0+$0xF248];
	_ =	sdelay $0x4  }
0x170: {  	[tilespmem:s2+$0xF248] =	vst v0  }
0x171: {  	v0 =	vld [tilespmem:s0+$0xF258];
	_ =	sdelay $0x4  }
0x172: {  	[tilespmem:s2+$0xF258] =	vst v0  }
0x173: {  	v0 =	vld [tilespmem:s0+$0xF268];
	_ =	sdelay $0x4  }
0x174: {  	[tilespmem:s2+$0xF268] =	vst v0  }
0x175: {  	v0 =	vld [tilespmem:s0+$0xF278];
	_ =	sdelay $0x4  }
0x176: {  	[tilespmem:s2+$0xF278] =	vst v0  }
0x177: {  	v0 =	vld [tilespmem:s0+$0xF288];
	_ =	sdelay $0x4  }
0x178: {  	[tilespmem:s2+$0xF288] =	vst v0  }
0x179: {  	v0 =	vld [tilespmem:s0+$0xF298];
	_ =	sdelay $0x4  }
0x17a: {  	[tilespmem:s2+$0xF298] =	vst v0  }
0x17b: {  	v0 =	vld [tilespmem:s0+$0xF2A8];
	_ =	sdelay $0x4  }
0x17c: {  	s6 =	sadd.s32 $0x1, s6;
	[tilespmem:s2+$0xF2A8] =	vst v0  }
.LBB2_33:
0x17d: {  	s11 =	sadd.s32 $0x1, s11  }
0x17e: {  	p1 =	sne.s32 s11, $0x20  }
.Ltmp20:
0x17f: {  	_ = 	snop;
	(pc) =	sbr.rel @!p1 .LBB2_34-.Ltmp20, $1  }
0x180: {  	_ =	sdelay $0x3  }
.LBB2_26:
0x181: {  	v0 =	vld.msk [tilespmem:s11+$0xF218], $0x1;
	_ =	sdelay $0x4  }
0x182: {  	(v2sf) =	vpush v0, $0x0;
	_ =	sdelay $0xe  }
0x183: {  	s12 =	spop (v2sf)  }
0x184: {  	p1 =	seq.s32 s12, $0xFFFFFFFF  }
.Ltmp21:
0x185: {  	_ = 	snop;
	(pc) =	sbr.rel @p1 .LBB2_33-.Ltmp21, $1  }
0x186: {  	_ =	sdelay $0x3  }
0x187: {  	p1 =	slt.s32 s6, $0x1  }
.Ltmp22:
0x188: {  	_ = 	snop;
	(pc) =	sbr.rel @p1 .LBB2_32-.Ltmp22, $1  }
0x189: {  	_ =	sdelay $0x3  }
0x18a: {  	s13 =	simm.s32 $0xF218;
	p1 =	por $0x0, $0x0  }
0x18b: {  	v1 =	vld.msk @!p1 [tilespmem:s13+$0x0], $0x1;
	_ =	sdelay $0x4  }
0x18c: {  	(v2sf) =	vpush @!p1 v1, $0x0;
	_ =	sdelay $0xd  }
0x18d: {  	p3 =	sne.s32 s6, $0x1  }
.Ltmp23:
0x18e: {  	s0 =	spop @!p1 (v2sf);
	(pc) =	sbr.rel @!p3 .LBB2_30-.Ltmp23, $4  }
0x18f: {  	p2 =	seq.s32 @!p1 s12, s0  }
0x190: {  	s14 =	simm.s32 $0x0;
	p2 =	por !p2, p1  }
0x191: {  	s2 =	simm.s32 $0xFFFFFFFF;
	s14 =	simm.s32 @p2 $0xFFFFFFFF  }
0x192: {  	s0 =	simm.s32 $0x1;
	s14 =	smov.u32 @p1 s2  }
.LBB2_29:
0x193: {  	s2 =	smov.u32 s14;
	p1 =	sne.s32 s14, $0xFFFFFFFF  }
0x194: {  	s13 =	sadd.s32 $0x1, s13;
	s14 =	smov.u32 s0;
	s0 =	sadd.s32 $0x1, s0  }
0x195: {  	p2 =	sne.s32 s6, s0;
	v1 =	vld.msk @!p1 [tilespmem:s13+$0x0], $0x1;
	_ =	sdelay $0x4  }
0x196: {  	(v2sf) =	vpush @!p1 v1, $0x0;
	_ =	sdelay $0xe  }
.Ltmp24:
0x197: {  	s3 =	spop @!p1 (v2sf);
	(pc) =	sbr.rel @p2 .LBB2_29-.Ltmp24, $4  }
0x198: {  	p3 =	seq.s32 @!p1 s12, s3  }
0x199: {  	p3 =	por !p3, p1  }
0x19a: {  	s14 =	simm.s32 @p3 $0xFFFFFFFF  }
0x19b: {  	s14 =	smov.u32 @p1 s2  }
.LBB2_30:
0x19c: {  	p1 =	seq.s32 s14, $0xFFFFFFFF  }
.Ltmp25:
0x19d: {  	_ = 	snop;
	(pc) =	sbr.rel @p1 .LBB2_32-.Ltmp25, $1  }
0x19e: {  	_ =	sdelay $0x3  }
0x19f: {  	s0 =	sshll.u32 s11, $0x7  }
0x1a0: {  	s0 =	sand.u32 $0x3FFFFF80, s0  }
0x1a1: {  	v0 =	vld [tilespmem:s0+$0xF238];
	_ =	sdelay $0x2  }
0x1a2: {  	s2 =	sshll.u32 s14, $0x9  }
0x1a3: {  	s2 =	sshra.s32 s2, $0x2  }
0x1a4: {  	[tilespmem:s2+$0xF238] =	vst.add.f32.msk $0xffff, v0  }
0x1a5: {  	v0 =	vld [tilespmem:s0+$0xF248];
	_ =	sdelay $0x4  }
0x1a6: {  	[tilespmem:s2+$0xF248] =	vst.add.f32.msk $0xffff, v0  }
0x1a7: {  	v0 =	vld [tilespmem:s0+$0xF258];
	_ =	sdelay $0x4  }
0x1a8: {  	[tilespmem:s2+$0xF258] =	vst.add.f32.msk $0xffff, v0  }
0x1a9: {  	v0 =	vld [tilespmem:s0+$0xF268];
	_ =	sdelay $0x4  }
0x1aa: {  	[tilespmem:s2+$0xF268] =	vst.add.f32.msk $0xffff, v0  }
0x1ab: {  	v0 =	vld [tilespmem:s0+$0xF278];
	_ =	sdelay $0x4  }
0x1ac: {  	[tilespmem:s2+$0xF278] =	vst.add.f32.msk $0xffff, v0  }
0x1ad: {  	v0 =	vld [tilespmem:s0+$0xF288];
	_ =	sdelay $0x4  }
0x1ae: {  	[tilespmem:s2+$0xF288] =	vst.add.f32.msk $0xffff, v0  }
0x1af: {  	v0 =	vld [tilespmem:s0+$0xF298];
	_ =	sdelay $0x4  }
0x1b0: {  	[tilespmem:s2+$0xF298] =	vst.add.f32.msk $0xffff, v0  }
0x1b1: {  	v0 =	vld [tilespmem:s0+$0xF2A8]  }
.Ltmp26:
0x1b2: {  	_ = 	snop;
	(pc) =	sbr.rel .LBB2_33-.Ltmp26, $2  }
0x1b3: {  	_ =	sdelay $0x2  }
0x1b4: {  	[tilespmem:s2+$0xF2A8] =	vst.add.f32.msk $0xffff, v0  }
.LBB2_34:
0x1b5: {  	s0 =	simm.s32 $0x6;
	p1 =	seq.s32 s6, $0x0  }
0x1b6: {  	[sflag:s0] =	ssyncpa.u1 $0x1;
	v0 =	vimm.s32 @p1 $0xFFFFFFFF  }
0x1b7: {  	s9 =	sadd.s32 $0xFFFFFFFF, s6;
	[tilespmem:$0x10238] =	vst @p1 v0  }
0x1b8: {  	v0 =	vld.msk @!p1 [tilespmem:s9+$0xF218], $0x1;
	_ =	sdelay $0x1  }
0x1b9: {  	v1 =	vld.msk @!p1 [tilespmem:$0xF218], $0x1;
	_ =	sdelay $0x2  }
0x1ba: {  	p2 =	seq.s32 @!p1 s9, $0x0;
	v0 =	vbroadcast @!p1 v0, $0x0  }
0x1bb: {  	vm0 =	vmmov @!p1 $0x1;
	p2 =	por !p2, p1  }
0x1bc: {  	v1 =	vnsel @!p1 vm0, $0xFFFFFFFF, v1;
	vm0 =	vcmask @!p1 $0x308;
	v0 =	vpsel !p2, $0xFFFFFFFF, v0  }
0x1bd: {  	p2 =	sne.s32 @!p1 s8, s7;
	v0 =	vsel @!p1 vm0, v1, v0  }
0x1be: {  	s0 =	simm.s32 @!p1 $0xF238;
	s2 =	simm.s32 @!p1 $0x0;
	p3 =	por !p2, p1;
	[tilespmem:$0x10238] =	vst @!p1 v0  }
0x1bf: {  	[spmem:s2] =	stream.linear.scatter @!p1 [tilespmem:s0], [sflag:$0x1], $0x80, $0x38;
	[tilespmem:$0x1F6F8] =	vst v63  }
0x1c0: {  	s0 =	sshll.u32 @!p3 s9, $0x9  }
0x1c1: {  	s0 =	sshra.s32 @!p3 s0, $0x2  }
0x1c2: {  	s2 =	simm.s32 @!p3 $0x80;
	s0 =	sadd.s32 @!p3 $0xF238, s0  }
0x1c3: {  	[spmem:s2] =	stream.linear.scatter @!p3 [tilespmem:s0], [sflag:$0x1], $0x80, $0x38;
	[tilespmem:$0x1F6F8] =	vst v63  }
0x1c4: {  	s0 =	simm.s32 @!p3 $0x1  }
0x1c5: {  	_ =	swait.ge @!p3 [sflag:s0], $0x100  }
0x1c6: {  	p1 =	por p2, p1;
	[sflag:s0] =	ssyncset.done @!p3 $0x0  }
0x1c7: {  	[sflag:s0] =	ssyncadd.s32 @!p3 $0xFFFFFF00;
	s0 =	simm.s32 @!p1 $0x1  }
0x1c8: {  	_ =	swait.ge @!p1 [sflag:s0], $0x80  }
0x1c9: {  	s29 =	simm.s32 $0x10238;
	[sflag:s0] =	ssyncset.done @!p1 $0x0  }
0x1ca: {  	s30 =	simm.s32 $0x1000;
	s31 =	simm.s32 $0x1;
	[sflag:s0] =	ssyncadd.s32 @!p1 $0xFFFFFF80  }
0x1cb: {  	[spmem:s30] =	stream.linear.scatter [tilespmem:s29], [sflag:$0x1], $0x10, $0x38;
	[tilespmem:$0x1F6F8] =	vst v63  }
0x1cc: {  	_ =	swait.ge [sflag:s31], $0x10  }
0x1cd: {  	[sflag:s31] =	ssyncset.done $0x0  }
0x1ce: {  	p1 =	seq.s32 s15, $0x0;
	s8 =	rddreg [dreg:$0x2];
	[sflag:s31] =	ssyncadd.s32 $0xFFFFFFF0  }
0x1cf: {  	s2 =	sshll.u32 @p1 s8, $0xE;
	s7 =	rddreg [dreg:$0x3]  }
0x1d0: {  	s0 =	sadd.s32 @p1 $0x15C3C, s2;
	s2 =	sshll.u32 @p1 s7, $0x11  }
0x1d1: {  	_ =	sfence.stream.spmem;
	s0 =	sor.u32 @p1 s2, s0  }
0x1d2: {  	[sflag:s0] =	ssyncadd.remote.s32 @p1 $0x1;
	s0 =	simm.s32 @p1 $0x4  }
0x1d3: {  	s3 =	simm.s32 @!p1 $0x3C;
	s2 =	sand.u32 $0xFFFFFFFE, s8;
	_ =	swait.ge @p1 [sflag:s0], $0x22  }
0x1d4: {  	s4 =	simm.s32 @!p1 $0x0;
	s2 =	sadd.s32 @!p1 $0x4, s2;
	[sflag:s0] =	ssyncset.done @p1 $0x0  }
0x1d5: {  	s5 =	simm.s32 @!p1 $0x100;
	[sflag:s0] =	ssyncadd.s32 @p1 $0xFFFFFFDE;
	s0 =	sshll.u32 @!p1 s2, $0x1A  }
0x1d6: {  	s2 =	sshll.u32 @!p1 s2, $0xD;
	s0 =	sor.u32 @!p1 s0, s7;
	_ =	swait.eq @!p1 [sflag:s3], $0x1  }
0x1d7: {  	s2 =	sor.u32 @!p1 $0x1C04, s2;
	s3 =	simm.s32 @!p1 $0x1C03;
	s0 =	sor.u32 @!p1 $0x80004000, s0  }
0x1d8: {  	[spmem:s5], [sflag:s2] =	dma.general @!p1 [spmem:s4], [sflag:s3], length:$0x20, [dreg:$0x0], stride_count:$0x0, ici_dest:s0, dma_misc:DstOpCode:WRITE  }
0x1d9: {  	p2 =	slt.s32 s9, $0x2;
	s4 =	simm.s32 @!p1 $0x200;
	s5 =	simm.s32 @!p1 $0x202  }
0x1da: {  	[spmem:s5], [sflag:s2] =	dma.general @!p1 [spmem:s4], [sflag:s3], length:$0x2, [dreg:$0x0], stride_count:$0x0, ici_dest:s0, dma_misc:DstOpCode:WRITE  }
.Ltmp27:
0x1db: {  	s0 =	simm.s32 @!p1 $0x3;
	(pc) =	sbr.rel @p2 .LBB2_38-.Ltmp27, $4  }
0x1dc: {  	s2 =	sshll.u32 @!p1 s8, $0xE;
	_ =	swait.ge @!p1 [sflag:s0], $0x22  }
0x1dd: {  	s3 =	sshll.u32 @!p1 s7, $0x11;
	s2 =	sadd.s32 @!p1 $0x11C3C, s2;
	[sflag:s0] =	ssyncset.done @!p1 $0x0  }
0x1de: {  	[sflag:s0] =	ssyncadd.s32 @!p1 $0xFFFFFFDE;
	s0 =	sor.u32 @!p1 s3, s2  }
0x1df: {  	[sflag:s0] =	ssyncadd.remote.s32 @!p1 $0xFFFFFFFF;
	s0 =	simm.s32 $0x0  }
0x1e0: {  	s0 =	simm.s32 $0xF219  }
0x1e1: {  	v0 =	vld.msk [tilespmem:s0+$0x0], $0x1;
	_ =	sdelay $0x4  }
0x1e2: {  	(v2sf) =	vpush v0, $0x0;
	_ =	sdelay $0xc  }
0x1e3: {  	s2 =	sadd.s32 $0xFFFFFFFE, s6  }
0x1e4: {  	s5 =	sadd.s32 $0xFFFFFFFF, s2  }
0x1e5: {  	p2 =	sne.s32 s5, $0x0;
	s0 =	spop (v2sf)  }
.Ltmp28:
0x1e6: {  	p1 =	sgt.u32 s0, $0xFFFF0;
	(pc) =	sbr.rel @!p2 .LBB2_37-.Ltmp28, $4  }
0x1e7: {  	s4 =	simm.s32 $0xF2B8;
	s3 =	sand.u32 @!p1 $0xFFFF8, s0  }
0x1e8: {  	s7 =	simm.s32 $0x0;
	s0 =	sand.u32 @!p1 $0x7, s0;
	s2 =	sadd.s32 @!p1 s1, s3  }
0x1e9: {  	[hbm4b:s2+s0] =	stream.linear.scatter @!p1 [tilespmem:s4], [sflag:$0x5], $0x80, $0x38;
	[tilespmem:$0x1F6F8] =	vst v63  }
0x1ea: {  	s6 =	simm.s32 $0xF21A;
	s7 =	simm.s32 @!p1 $0x200;
	s0 =	simm.s32 $0x0  }
.LBB2_36:
0x1eb: {  	v0 =	vld.msk [tilespmem:s6+$0x0], $0x1;
	s5 =	sadd.s32 $0xFFFFFFFF, s5;
	s0 =	sadd.s32 s0, s7  }
0x1ec: {  	p1 =	sne.s32 s5, $0x0;
	_ =	sdelay $0x3  }
0x1ed: {  	(v2sf) =	vpush v0, $0x0;
	_ =	sdelay $0xe  }
.Ltmp29:
0x1ee: {  	s2 =	spop (v2sf);
	(pc) =	sbr.rel @p1 .LBB2_36-.Ltmp29, $4  }
0x1ef: {  	s7 =	simm.s32 $0x0;
	p2 =	sgt.u32 s2, $0xFFFF0  }
0x1f0: {  	s4 =	sadd.s32 $0x80, s4;
	s7 =	simm.s32 @!p2 $0x200;
	s3 =	sand.u32 @!p2 $0xFFFF8, s2  }
0x1f1: {  	s6 =	sadd.s32 $0x1, s6;
	s2 =	sand.u32 @!p2 $0x7, s2;
	s3 =	sadd.s32 @!p2 s1, s3  }
0x1f2: {  	[hbm4b:s3+s2] =	stream.linear.scatter @!p2 [tilespmem:s4], [sflag:$0x5], $0x80, $0x38;
	[tilespmem:$0x1F6F8] =	vst v63  }
.LBB2_37:
0x1f3: {  	s0 =	sadd.s32 s0, s7  }
0x1f4: {  	s0 =	sshrl.u32 s0, $0x2  }
.LBB2_38:
0x1f5: {  	s2 =	simm.s32 $0x5  }
0x1f6: {  	_ =	swait.ge [sflag:s2], s0  }
0x1f7: {  	s31 =	ssub.s32 $0x0, s0;
	[sflag:s2] =	ssyncset.done $0x0  }
0x1f8: {  	[sflag:s2] =	ssyncadd.s32 s31  }
0x1f9: {  	[sflag:s2] =	ssyncpa.u1 $0x1  }
.LBB2_39:
0x1fa: {  	s0 =	sor.u32 s15, s16  }
0x1fb: {  	p1 =	sne.s32 s0, $0x0  }
.Ltmp30:
0x1fc: {  	_ = 	snop;
	(pc) =	sbr.rel @p1 .LBB2_54-.Ltmp30, $3  }
0x1fd: {  	_ =	sdelay $0x1  }
0x1fe: {  	[bflag:$0x0] =	sbarrier.arrive $0xFFFF  }
0x1ff: {  	_ =	sfence  }
0x200: {  	s0 =	simm.s32 $0x7  }
0x201: {  	s2 =	simm.s32 $0x1000;
	s3 =	simm.s32 $0xF218;
	[sflag:s0] =	ssyncpa.u1 $0x0  }
0x202: {  	[tilespmem:s3], [sflag:$0x7] =	stream.linear.gather [spmem:s2], $0x20, $0x38;
	[tilespmem:$0x1F6F8] =	vst v63  }
0x203: {  	s30 =	simm.s32 $0xF238;
	s2 =	simm.s32 $0x0  }
0x204: {  	[tilespmem:s30], [sflag:$0x7] =	stream.linear.gather [spmem:s2], $0x1000, $0x38;
	[tilespmem:$0x1F6F8] =	vst v63  }
.Ltmp31:
0x205: {  	_ = 	snop;
	(pc) =	sbr.rel .LBB2_41-.Ltmp31, $4  }
0x206: {  	_ =	swait.ge [sflag:s0], $0x1020  }
0x207: {  	[sflag:s0] =	ssyncset.done $0x0  }
0x208: {  	s31 =	simm.s32 $0x8;
	[sflag:s0] =	ssyncadd.s32 $0xFFFFEFE0  }
0x209: {  	s3 =	simm.s32 $0x0;
	[sflag:s31] =	ssyncpa.u1 $0x0  }
.LBB2_47:
0x20a: {  	p1 =	slt.u32 s4, $0xFFFF1  }
0x20b: {  	s0 =	sand.u32 @p1 $0xFFFF8, s4  }
0x20c: {  	s4 =	sand.u32 @p1 $0x7, s4;
	s5 =	simm.s32 @p1 $0xF188;
	s0 =	sadd.s32 @p1 s1, s0  }
0x20d: {  	[tilespmem:s5], [sflag:$0x8] =	stream.linear.gather @p1 [hbm4b:s0+s4], $0x80, $0x38;
	[tilespmem:$0x1F6F8] =	vst v63  }
0x20e: {  	s0 =	simm.s32 @p1 $0x8  }
0x20f: {  	_ =	swait.ge @p1 [sflag:s0], $0x80  }
0x210: {  	[sflag:s0] =	ssyncset.done @p1 $0x0  }
0x211: {  	[sflag:s0] =	ssyncadd.s32 @p1 $0xFFFFFF80  }
0x212: {  	v1 =	vld @p1 [tilespmem:$0xF188];
	_ =	sdelay $0x2  }
0x213: {  	s0 =	sshll.u32 @p1 s3, $0x9  }
0x214: {  	s4 =	sshrl.u32 @p1 s0, $0x2  }
0x215: {  	[tilespmem:s4+$0xF238] =	vst.add.f32.msk @p1 $0xffff, v1  }
0x216: {  	v1 =	vld @p1 [tilespmem:$0xF198];
	_ =	sdelay $0x4  }
0x217: {  	[tilespmem:s4+$0xF248] =	vst.add.f32.msk @p1 $0xffff, v1  }
0x218: {  	v1 =	vld @p1 [tilespmem:$0xF1A8];
	_ =	sdelay $0x4  }
0x219: {  	[tilespmem:s4+$0xF258] =	vst.add.f32.msk @p1 $0xffff, v1  }
0x21a: {  	v1 =	vld @p1 [tilespmem:$0xF1B8];
	_ =	sdelay $0x4  }
0x21b: {  	[tilespmem:s4+$0xF268] =	vst.add.f32.msk @p1 $0xffff, v1  }
0x21c: {  	v1 =	vld @p1 [tilespmem:$0xF1C8];
	_ =	sdelay $0x4  }
0x21d: {  	[tilespmem:s4+$0xF278] =	vst.add.f32.msk @p1 $0xffff, v1  }
0x21e: {  	v1 =	vld @p1 [tilespmem:$0xF1D8];
	_ =	sdelay $0x4  }
0x21f: {  	[tilespmem:s4+$0xF288] =	vst.add.f32.msk @p1 $0xffff, v1  }
0x220: {  	v1 =	vld @p1 [tilespmem:$0xF1E8];
	_ =	sdelay $0x4  }
0x221: {  	[tilespmem:s4+$0xF298] =	vst.add.f32.msk @p1 $0xffff, v1  }
0x222: {  	v1 =	vld @p1 [tilespmem:$0xF1F8];
	_ =	sdelay $0x3  }
0x223: {  	s5 =	sshll.u32 @!p1 s3, $0x9  }
0x224: {  	s5 =	smov.u32 @p1 s0;
	[tilespmem:s4+$0xF2A8] =	vst.add.f32.msk @p1 $0xffff, v1  }
0x225: {  	s0 =	sshrl.u32 s5, $0x2;
	[tilespmem:s2+$0xF218] =	vst.msk $0x1, v0  }
0x226: {  	v0 =	vld [tilespmem:s0+$0xF238];
	_ =	sdelay $0x2  }
0x227: {  	s31 =	sshll.u32 s2, $0x9  }
0x228: {  	s4 =	sshra.s32 s31, $0x2  }
0x229: {  	[tilespmem:s4+$0xF238] =	vst v0  }
0x22a: {  	v0 =	vld [tilespmem:s0+$0xF248];
	_ =	sdelay $0x4  }
0x22b: {  	[tilespmem:s4+$0xF248] =	vst v0  }
0x22c: {  	v0 =	vld [tilespmem:s0+$0xF258];
	_ =	sdelay $0x4  }
0x22d: {  	[tilespmem:s4+$0xF258] =	vst v0  }
0x22e: {  	v0 =	vld [tilespmem:s0+$0xF268];
	_ =	sdelay $0x4  }
0x22f: {  	[tilespmem:s4+$0xF268] =	vst v0  }
0x230: {  	v0 =	vld [tilespmem:s0+$0xF278];
	_ =	sdelay $0x4  }
0x231: {  	[tilespmem:s4+$0xF278] =	vst v0  }
0x232: {  	v0 =	vld [tilespmem:s0+$0xF288];
	_ =	sdelay $0x4  }
0x233: {  	[tilespmem:s4+$0xF288] =	vst v0  }
0x234: {  	v0 =	vld [tilespmem:s0+$0xF298];
	_ =	sdelay $0x4  }
0x235: {  	[tilespmem:s4+$0xF298] =	vst v0  }
0x236: {  	v0 =	vld [tilespmem:s0+$0xF2A8];
	_ =	sdelay $0x4  }
0x237: {  	s2 =	sadd.s32 $0x1, s2;
	[tilespmem:s4+$0xF2A8] =	vst v0  }
.LBB2_48:
0x238: {  	s3 =	sadd.s32 $0x1, s3  }
0x239: {  	p1 =	sne.s32 s3, $0x20  }
.Ltmp32:
0x23a: {  	_ = 	snop;
	(pc) =	sbr.rel @!p1 .LBB2_49-.Ltmp32, $1  }
0x23b: {  	_ =	sdelay $0x3  }
.LBB2_41:
0x23c: {  	v0 =	vld.msk [tilespmem:s3+$0xF218], $0x1;
	_ =	sdelay $0x4  }
0x23d: {  	(v2sf) =	vpush v0, $0x0;
	_ =	sdelay $0xe  }
0x23e: {  	s4 =	spop (v2sf)  }
0x23f: {  	p1 =	seq.s32 s4, $0xFFFFFFFF  }
.Ltmp33:
0x240: {  	_ = 	snop;
	(pc) =	sbr.rel @p1 .LBB2_48-.Ltmp33, $1  }
0x241: {  	_ =	sdelay $0x3  }
0x242: {  	p1 =	slt.s32 s2, $0x1  }
.Ltmp34:
0x243: {  	_ = 	snop;
	(pc) =	sbr.rel @p1 .LBB2_47-.Ltmp34, $1  }
0x244: {  	_ =	sdelay $0x3  }
0x245: {  	s5 =	simm.s32 $0xF218;
	p1 =	por $0x0, $0x0  }
0x246: {  	v1 =	vld.msk @!p1 [tilespmem:s5+$0x0], $0x1;
	_ =	sdelay $0x4  }
0x247: {  	(v2sf) =	vpush @!p1 v1, $0x0;
	_ =	sdelay $0xd  }
0x248: {  	p3 =	sne.s32 s2, $0x1  }
.Ltmp35:
0x249: {  	s0 =	spop @!p1 (v2sf);
	(pc) =	sbr.rel @!p3 .LBB2_45-.Ltmp35, $4  }
0x24a: {  	p2 =	seq.s32 @!p1 s4, s0  }
0x24b: {  	s6 =	simm.s32 $0x0;
	p2 =	por !p2, p1  }
0x24c: {  	s7 =	simm.s32 $0xFFFFFFFF;
	s6 =	simm.s32 @p2 $0xFFFFFFFF  }
0x24d: {  	s0 =	simm.s32 $0x1;
	s6 =	smov.u32 @p1 s7  }
.LBB2_44:
0x24e: {  	s7 =	smov.u32 s6;
	p1 =	sne.s32 s6, $0xFFFFFFFF  }
0x24f: {  	s5 =	sadd.s32 $0x1, s5;
	s6 =	smov.u32 s0;
	s0 =	sadd.s32 $0x1, s0  }
0x250: {  	p2 =	sne.s32 s2, s0;
	v1 =	vld.msk @!p1 [tilespmem:s5+$0x0], $0x1;
	_ =	sdelay $0x4  }
0x251: {  	(v2sf) =	vpush @!p1 v1, $0x0;
	_ =	sdelay $0xe  }
.Ltmp36:
0x252: {  	s8 =	spop @!p1 (v2sf);
	(pc) =	sbr.rel @p2 .LBB2_44-.Ltmp36, $4  }
0x253: {  	p3 =	seq.s32 @!p1 s4, s8  }
0x254: {  	p3 =	por !p3, p1  }
0x255: {  	s6 =	simm.s32 @p3 $0xFFFFFFFF  }
0x256: {  	s6 =	smov.u32 @p1 s7  }
.LBB2_45:
0x257: {  	p1 =	seq.s32 s6, $0xFFFFFFFF  }
.Ltmp37:
0x258: {  	_ = 	snop;
	(pc) =	sbr.rel @p1 .LBB2_47-.Ltmp37, $1  }
0x259: {  	_ =	sdelay $0x3  }
0x25a: {  	s0 =	sshll.u32 s3, $0x7  }
0x25b: {  	s0 =	sand.u32 $0x3FFFFF80, s0  }
0x25c: {  	v0 =	vld [tilespmem:s0+$0xF238];
	_ =	sdelay $0x2  }
0x25d: {  	s4 =	sshll.u32 s6, $0x9  }
0x25e: {  	s4 =	sshra.s32 s4, $0x2  }
0x25f: {  	[tilespmem:s4+$0xF238] =	vst.add.f32.msk $0xffff, v0  }
0x260: {  	v0 =	vld [tilespmem:s0+$0xF248];
	_ =	sdelay $0x4  }
0x261: {  	[tilespmem:s4+$0xF248] =	vst.add.f32.msk $0xffff, v0  }
0x262: {  	v0 =	vld [tilespmem:s0+$0xF258];
	_ =	sdelay $0x4  }
0x263: {  	[tilespmem:s4+$0xF258] =	vst.add.f32.msk $0xffff, v0  }
0x264: {  	v0 =	vld [tilespmem:s0+$0xF268];
	_ =	sdelay $0x4  }
0x265: {  	[tilespmem:s4+$0xF268] =	vst.add.f32.msk $0xffff, v0  }
0x266: {  	v0 =	vld [tilespmem:s0+$0xF278];
	_ =	sdelay $0x4  }
0x267: {  	[tilespmem:s4+$0xF278] =	vst.add.f32.msk $0xffff, v0  }
0x268: {  	v0 =	vld [tilespmem:s0+$0xF288];
	_ =	sdelay $0x4  }
0x269: {  	[tilespmem:s4+$0xF288] =	vst.add.f32.msk $0xffff, v0  }
0x26a: {  	v0 =	vld [tilespmem:s0+$0xF298];
	_ =	sdelay $0x4  }
0x26b: {  	[tilespmem:s4+$0xF298] =	vst.add.f32.msk $0xffff, v0  }
0x26c: {  	v0 =	vld [tilespmem:s0+$0xF2A8]  }
.Ltmp38:
0x26d: {  	_ = 	snop;
	(pc) =	sbr.rel .LBB2_48-.Ltmp38, $2  }
0x26e: {  	_ =	sdelay $0x2  }
0x26f: {  	[tilespmem:s4+$0xF2A8] =	vst.add.f32.msk $0xffff, v0  }
.LBB2_49:
0x270: {  	p1 =	slt.s32 s2, $0x1  }
.Ltmp39:
0x271: {  	_ = 	snop;
	(pc) =	sbr.rel @p1 .LBB2_53-.Ltmp39, $3  }
0x272: {  	_ =	sdelay $0x1  }
0x273: {  	s0 =	simm.s32 $0x8  }
0x274: {  	s3 =	simm.s32 $0x0;
	[sflag:s0] =	ssyncpa.u1 $0x1  }
0x275: {  	s0 =	simm.s32 $0xF218  }
0x276: {  	v0 =	vld.msk [tilespmem:s0+$0x0], $0x1;
	_ =	sdelay $0x4  }
0x277: {  	(v2sf) =	vpush v0, $0x0;
	_ =	sdelay $0xe  }
0x278: {  	s2 =	sadd.s32 $0xFFFFFFFF, s2;
	s0 =	spop (v2sf)  }
0x279: {  	p2 =	sne.s32 s2, $0x0;
	p1 =	sgt.u32 s0, $0xFFFF0  }
.Ltmp40:
0x27a: {  	s5 =	sand.u32 @!p1 $0xFFFF8, s0;
	(pc) =	sbr.rel @!p2 .LBB2_52-.Ltmp40, $4  }
0x27b: {  	s4 =	simm.s32 $0xF238;
	s0 =	sand.u32 @!p1 $0x7, s0;
	s5 =	sadd.s32 @!p1 s1, s5  }
0x27c: {  	[hbm4b:s5+s0] =	stream.linear.scatter @!p1 [tilespmem:s4], [sflag:$0x7], $0x80, $0x38;
	[tilespmem:$0x1F6F8] =	vst v63  }
0x27d: {  	s5 =	simm.s32 $0x0  }
0x27e: {  	s0 =	simm.s32 $0xF219;
	s5 =	simm.s32 @!p1 $0x200  }
.LBB2_51:
0x27f: {  	v0 =	vld.msk [tilespmem:s0+$0x0], $0x1;
	s2 =	sadd.s32 $0xFFFFFFFF, s2;
	s3 =	sadd.s32 s3, s5  }
0x280: {  	p1 =	sne.s32 s2, $0x0;
	_ =	sdelay $0x3  }
0x281: {  	(v2sf) =	vpush v0, $0x0;
	_ =	sdelay $0xe  }
.Ltmp41:
0x282: {  	s6 =	spop (v2sf);
	(pc) =	sbr.rel @p1 .LBB2_51-.Ltmp41, $4  }
0x283: {  	s5 =	simm.s32 $0x0;
	p2 =	sgt.u32 s6, $0xFFFF0  }
0x284: {  	s4 =	sadd.s32 $0x80, s4;
	s5 =	simm.s32 @!p2 $0x200;
	s7 =	sand.u32 @!p2 $0xFFFF8, s6  }
0x285: {  	s0 =	sadd.s32 $0x1, s0;
	s6 =	sand.u32 @!p2 $0x7, s6;
	s7 =	sadd.s32 @!p2 s1, s7  }
0x286: {  	[hbm4b:s7+s6] =	stream.linear.scatter @!p2 [tilespmem:s4], [sflag:$0x7], $0x80, $0x38;
	[tilespmem:$0x1F6F8] =	vst v63  }
.LBB2_52:
0x287: {  	s0 =	sadd.s32 s3, s5  }
0x288: {  	s3 =	sshrl.u32 s0, $0x2  }
.LBB2_53:
0x289: {  	s0 =	simm.s32 $0x7  }
0x28a: {  	_ =	swait.ge [sflag:s0], s3  }
0x28b: {  	s1 =	ssub.s32 $0x0, s3;
	[sflag:s0] =	ssyncset.done $0x0  }
0x28c: {  	[sflag:s0] =	ssyncadd.s32 s1  }
0x28d: {  	[sflag:s0] =	ssyncpa.u1 $0x1  }
.LBB2_54:
0x28e: {  	_ =	sfence;
	s0 =	simm.s32 $0x1  }
0x28f: {  	[sflag:s0] =	ssyncpa.u1 $0x1  }
0x290: {  	_ =	strace $0x90000050  }
0x291: {  	[bflag:$0x2] =	sbarrier.arrive $0xFFFF  }
0x292: {  	s0 =	rddreg [dreg:$0x4]  }
0x293: {  	s0 =	sadd.s32 @!p0 $0x100000, s0  }
0x294: {  	[sflag:s0] =	ssyncadd.tile.s32 @!p0 $0x1;
	_ =	shalt  }
.Lfunc_end2:
_tile_overlayer_lowered:
.L_overlay_start_2:
0x295: {  	(tag) =	ssettag $0x2  }
0x296: {  	s0 =	rddreg [dreg:$0x0];
	s2 =	stileid.u32  }
0x297: {  	s1 =	rddreg [dreg:$0x1];
	p0 =	sne.s32 s2, $0x0  }
0x298: {  	s3 =	rddreg [dreg:$0x2];
	[bflag:$0x3] =	sbarrier.arrive $0xFFFF;
	s2 =	simm.s32 @!p0 $0x1C01  }
0x299: {  	[timem:s3], [sflag:s2] =	dma.local @!p0 [hbm:s0], s1  }
0x29a: {  	s0 =	simm.s32 @!p0 $0x1  }
0x29b: {  	_ =	swait.ge @!p0 [sflag:s0], s1  }
0x29c: {  	s1 =	ssub.s32 @!p0 $0x0, s1;
	[sflag:s0] =	ssyncset.done @!p0 $0x0  }
0x29d: {  	[sflag:s0] =	ssyncadd.s32 @!p0 s1  }
0x29e: {  	[bflag:$0x3] =	sbarrier.arrive $0xFFFF  }
0x29f: {  	_ =	shalt  }

// kernel: sparse-core-data-format-call.1.cloned.1.call-start
scs
called_computation.3_lowered:
.L_overlay_start_0:
0x0: {  	s1 =	sld [smem:$0x3FD9]  }
0x1: {  	s2 =	sld [smem:$0x3FFE];
	_ =	sdelay $0x1  }
0x2: {  	s3 =	srdreg.scid  }
0x3: {  	s0 =	sand.u32 $0x1, s3  }
0x4: {  	s17 =	sshll.u32 s0, $0xA;
	s1 =	sadd.s32 s2, s1  }
0x5: {  	s1 =	sadd.s32 s1, s17  }
0x6: {  	[smem:$0x3FAF] =	sst s1  }
0x7: {  	_ = 	snop  }
0x8: {  	(tm) =	ssettm $0x1  }
0x9: {  	s18 =	sld [smem:$0x3FFB];
	_ =	sdelay $0x3  }
0xa: {  	_ =	strace s18  }
0xb: {  	s1 =	sld [smem:$0x3FFC];
	_ =	sdelay $0x3  }
0xc: {  	_ =	strace s1  }
0xd: {  	s1 =	sld [smem:$0x3FFD];
	_ =	sdelay $0x3  }
0xe: {  	_ =	strace s1  }
0xf: {  	_ =	strace $0x8FFFFFFF  }
0x10: {  	s19 =	sld [smem:$0x3FDB];
	_ =	sdelay $0x1  }
0x11: {  	s20 =	simm.s32 $_scs_section_size  }
0x12: {  	s4 =	simm.s32 $_size__tile_overlayer_lowered;
	s5 =	simm.s32 $_tile_overlayer_lowered  }
0x13: {  	s23 =	simm.s32 $0x1BFF;
	s22 =	sshll.u32 s5, $0x1;
	s1 =	sadd.s32 s20, s19  }
0x14: {  	s6 =	simm.s32 $0x0;
	s21 =	sshll.u32 s4, $0x1;
	s4 =	sadd.s32 s22, s1  }
0x15: {  	[timem:s6], [sflag:s23] =	dma.local [hbm:s4], s21  }
0x16: {  	_ =	swait.ge [sflag:s23], s21  }
0x17: {  	s2 =	ssub.s32 $0x0, s21;
	[sflag:s23] =	ssyncset.done $0x0  }
0x18: {  	[sflag:s23] =	ssyncadd.s32 s2;
	_ =	sdelay $0x1  }
0x19: {  	s24 =	simm.s32 $0x1B8B  }
0x1a: {  	_ =	swait.ge [sflag:s24], $0x1  }
0x1b: {  	[sflag:s24] =	ssyncset.done $0x0  }
0x1c: {  	s26 =	simm.s32 $0x1B8E;
	s25 =	sld [smem:$0x3FFE];
	[sflag:s24] =	ssyncadd.s32 $0xFFFFFFFF  }
0x1d: {  	s27 =	simm.s32 $execute0_lowered;
	[smem:$0x3FD2] =	sst s26  }
0x1e: {  	s4 =	sshll.u32 s27, $0x1;
	_ =	strace $0x80000046;
	[dreg:$0x1] =	wrdreg $0xFFFFFFFF  }
0x1f: {  	s28 =	simm.s32 $_size_execute0_lowered;
	s1 =	sadd.s32 s1, s4;
	[dreg:$0x0] =	wrdreg $0x0  }
0x20: {  	s4 =	sshll.u32 s28, $0x1;
	[dreg:$0x2] =	wrdreg s1  }
0x21: {  	[dreg:$0x3] =	wrdreg s4  }
0x22: {  	[dreg:$0x4] =	wrdreg $0xC0  }
0x23: {  	_ =	task [dreg:s6], $0x5FFFF  }
0x24: {  	[dreg:$0x1] =	wrdreg $0xFFFFFFFF  }
0x25: {  	[dreg:$0x0] =	wrdreg $0x60  }
0x26: {  	[dreg:$0x2] =	wrdreg s25  }
0x27: {  	[dreg:$0x3] =	wrdreg $0x9  }
0x28: {  	_ =	task.clear_ibuf [dreg:s6], $0x4FFFF;
	_ =	strace $0x90000046  }
0x29: {  	s29 =	simm.s32 $0x9;
	_ =	strace $0x80000048  }
0x2a: {  	_ =	swait.ge [sflag:s29], $0x1  }
0x2b: {  	[sflag:s29] =	ssyncadd.s32 $0xFFFFFFFF  }
0x2c: {  	_ =	strace $0x90000048  }
0x2d: {  	_ =	sfence  }
0x2e: {  	s30 =	sld [smem:$0x0];
	_ =	sdelay $0x2  }
0x2f: {  	s31 =	sshll.u32 s3, $0xD;
	s3 =	sshrl.u32 s3, $0x2  }
0x30: {  	s2 =	sand.u32 $0x4000, s31;
	s1 =	sadd.s32 s3, s30  }
0x31: {  	s0 =	sor.u32 s2, s0;
	s1 =	sshll.u32 s1, $0x11  }
0x32: {  	s0 =	sor.u32 s1, s0  }
0x33: {  	s0 =	sadd.s32 $0x8F2B, s0  }
0x34: {  	[sflag:s0] =	ssyncadd.remote.s32 $0x1  }
0x35: {  	_ =	sfence.sel $0xFFFF  }
0x36: {  	[dreg:$0x0] =	wrdreg $0xFFFFFFFF;
	(pc) =	sbr.abs _section_cstart, $3  }
0x37: {  	[dreg:$0x1] =	wrdreg $0xFFFFFFFF  }
0x38: {  	_ =	task.clear_ibuf [dreg:s6], $0x2FFFF;
	_ =	strace $0x9FFFFFFF  }
0x39: {  	(tm) =	ssettm $0x7FFFFFFF  }
tec
execute0_lowered:
.L_overlay_start_1:
0x0: {  	(tag) =	ssettag $0x1  }
0x1: {  	s0 =	stileid.u32;
	s1 =	srdreg.scid  }
0x2: {  	s2 =	sshll.u32 s0, $0x6;
	s1 =	sshll.u32 s1, $0xA  }
0x3: {  	s1 =	sor.u32 s2, s1  }
0x4: {  	s7 =	rddreg [dreg:$0x0];
	s1 =	sand.u32 $0x780, s1  }
0x5: {  	s8 =	simm.s32 $0x2;
	s2 =	sand.u32 $0x1, s0;
	s3 =	ssub.s32 $0x1000, s1  }
0x6: {  	s14 =	simm.s32 $0x0;
	s4 =	ssub.s32 $0x2, s2;
	s5 =	sand.u32 $0x780, s3  }
0x7: {  	s6 =	sshrl.u32 s4, $0x1;
	p0 =	sne.s32 s5, $0x0;
	s5 =	simm.s32 $0x1  }
0x8: {  	s4 =	sand.u32 $0x1, s4;
	s3 =	sshrl.u32 s3, $0xB;
	s5 =	simm.s32 @!p0 $0x0  }
0x9: {  	s9 =	simm.s32 $0x8000;
	s4 =	sadd.s32 s4, s6;
	s5 =	sadd.s32 s5, s3  }
0xa: {  	s15 =	simm.s32 $0x0;
	s16 =	simm.s32 $0x0;
	s6 =	smul.u32 s5, s4  }
.Ltmp0:
0xb: {  	s10 =	simm.s32 $0x0;
	s13 =	simm.s32 $0x0;
	(pc) =	sbr.rel .LBB1_1-.Ltmp0, $4  }
0xc: {  	s12 =	smov.u32 s2;
	s11 =	smov.u32 s1;
	s3 =	rddreg [dreg:$0x1]  }
0xd: {  	_ =	strace $0x80000047;
	s5 =	simm.s32 $0x1;
	s6 =	smul.u32 $0x14, s6  }
0xe: {  	p0 =	por $0x0, $0x0;
	s4 =	sadd.s32 $0x290200, s7;
	[sflag:s5] =	ssyncpa.u1 $0x0  }
0xf: {  	s7 =	sadd.s32 $0x10200, s7;
	[sflag:s8] =	ssyncpa.u1 $0x0;
	s8 =	sor.u32 $0x1, s6  }
.LBB1_4:
0x10: {  	s16 =	smul.u32 $0xA0000, s16  }
0x11: {  	s19 =	sshll.u32 s15, $0x3;
	s20 =	sand.u32 $0x78, s15;
	s30 =	sand.u32 $0x7E00, s15  }
0x12: {  	s14 =	sshll.u32 s14, $0xF;
	s19 =	sand.u32 $0xC00, s19;
	s16 =	sadd.s32 s7, s16  }
0x13: {  	[tilespmem:s18+$0x810 ss:$0x81] =	vst.msk $0xffff, v2;
	s31 =	sand.u32 $0x7, s15;
	s19 =	sor.u32 s20, s19;
	s16 =	sadd.s32 s30, s16  }
0x14: {  	[tilespmem:s18+$0x1020 ss:$0x81] =	vst.msk $0xffff, v0;
	s15 =	sshll.u32 s31, $0x12;
	s19 =	sshrl.u32 s19, $0x3;
	s14 =	sadd.s32 s14, s16  }
0x15: {  	[tilespmem:s18+$0x0 ss:$0x81] =	vst.msk $0xffff, v1;
	s15 =	sor.u32 $0x400, s15;
	s14 =	sadd.s32 s19, s14  }
0x16: {  	[hbm4b:s14+s15] =	stream.strided.scatter [tilespmem:s17], [sflag:$0x2], $0x2000, s9, s15, $0x20;
	[tilespmem:$0x8080] =	vst v63  }
.LBB1_5:
0x17: {  	s17 =	sadd.s32 $0x1, s10  }
0x18: {  	s14 =	sadd.s32 $0x800, s11;
	s18 =	smov.u32 s11;
	p2 =	sgt.s32 s17, $0x13  }
0x19: {  	s18 =	smov.u32 @p2 s14  }
0x1a: {  	s20 =	smov.u32 s12;
	s14 =	sadd.s32 $0x2, s12;
	p3 =	sgt.s32 s18, $0xFFF  }
0x1b: {  	s20 =	smov.u32 @p3 s14  }
0x1c: {  	s17 =	simm.s32 @p2 $0x0;
	p2 =	sgt.s32 s20, $0x1  }
0x1d: {  	p1 =	slt.u32 s13, $0x2;
	s20 =	smov.u32 @p2 s2;
	p2 =	sne.s32 s13, s8  }
.Ltmp1:
0x1e: {  	s19 =	simm.s32 @!p1 $0x2;
	(pc) =	sbr.rel @!p2 .LBB1_6-.Ltmp1, $4  }
0x1f: {  	s15 =	smov.u32 s11;
	s16 =	smov.u32 s12;
	_ =	swait.ge @!p1 [sflag:s19], $0x2000  }
0x20: {  	p0 =	por !p0, !p0;
	[sflag:s19] =	ssyncset.done @!p1 $0x0;
	s18 =	smov.u32 @p3 s1  }
0x21: {  	s14 =	smov.u32 s10;
	[sflag:s19] =	ssyncadd.s32 @!p1 $0xFFFFE000;
	s10 =	smov.u32 s17  }
0x22: {  	s11 =	smov.u32 s18;
	s13 =	sadd.s32 $0x1, s13;
	s12 =	smov.u32 s20  }
.LBB1_1:
0x23: {  	p1 =	sge.u32 s13, s6  }
0x24: {  	s17 =	sand.u32 @!p1 $0x1FFFFFF, s10;
	s19 =	smul.u32 @!p1 $0x180000, s12  }
0x25: {  	s18 =	smulhi.u32 @!p1 $0xAAAAAAB, s17  }
0x26: {  	s21 =	smul.u32 @!p1 $0x180, s11  }
0x27: {  	s18 =	smul.u32 @!p1 $0x18, s18  }
0x28: {  	s31 =	sadd.s32 $0xFFFFFFFF, s13;
	s19 =	sadd.s32 @!p1 s4, s19  }
0x29: {  	s20 =	sxor.u32 @!p1 $0xFFFFFFFF, s13;
	s19 =	sadd.s32 @!p1 s21, s19;
	s17 =	ssub.s32 @!p1 s17, s18  }
0x2a: {  	s18 =	sshll.u32 @!p1 s20, $0xD;
	s20 =	simm.s32 @!p1 $0xC00;
	s17 =	sshll.u32 @!p1 s17, $0x4  }
0x2b: {  	s18 =	sand.u32 @!p1 $0x2000, s18;
	s17 =	sadd.s32 @!p1 s17, s19;
	s19 =	simm.s32 @!p1 $0x40  }
0x2c: {  	[tilespmem:s18], [sflag:$0x1] =	stream.strided.gather @!p1 [hbm4b:s17+s19], $0x2000, s20, s19, $0x38;
	[tilespmem:$0x8080] =	vst v63  }
0x2d: {  	p1 =	sge.u32 s31, s6  }
.Ltmp2:
0x2e: {  	_ = 	snop;
	(pc) =	sbr.rel @p1 .LBB1_5-.Ltmp2, $1  }
0x2f: {  	_ =	sdelay $0x3  }
0x30: {  	s17 =	simm.s32 $0x1  }
0x31: {  	_ =	swait.ge [sflag:s5], $0x2000;
	s17 =	simm.s32 @!p0 $0x0  }
0x32: {  	[sflag:s5] =	ssyncset.done $0x0;
	s18 =	sshll.u32 s17, $0xD  }
0x33: {  	[sflag:s5] =	ssyncadd.s32 $0xFFFFE000;
	s21 =	sor.u32 $0x20, s18  }
0x34: {  	s17 =	smul.u32 $0x8100, s17;
	v3 =	vld [tilespmem:s21+$0x10]  }
0x35: {  	s30 =	sand.u32 $0x1, s13;
	v2 =	vld [tilespmem:s21+$0xFFFFFFF0]  }
0x36: {  	s18 =	smul.u32 $0x8100, s30;
	s17 =	sshrl.u32 s17, $0x2;
	v0 =	vld [tilespmem:s21+$0x0]  }
0x37: {  	v1 =	vld [tilespmem:s21+$0xFFFFFFE0];
	s19 =	sor.u32 $0x4000, s17  }
0x38: {  	s31 =	sshrl.u32 s18, $0x2;
	s18 =	sadd.s32 $0x0, s19  }
0x39: {  	s20 =	simm.s32 $0x4;
	s21 =	sadd.s32 $0x40, s21;
	s17 =	sor.u32 $0x4000, s31;
	[tilespmem:s18+$0x1830 ss:$0x81] =	vst.msk $0xffff, v3  }
.LBB1_3:
0x3a: {  	v3 =	vld [tilespmem:s21+$0x10];
	p1 =	sne.s32 s20, $0x1FC;
	[tilespmem:s18+$0x810 ss:$0x81] =	vst.msk $0xffff, v2;
	s22 =	smov.u32 s20;
	s20 =	sadd.s32 $0x4, s20  }
.Ltmp3:
0x3b: {  	v2 =	vld [tilespmem:s21+$0xFFFFFFF0];
	[tilespmem:s18+$0x1020 ss:$0x81] =	vst.msk $0xffff, v0;
	(pc) =	sbr.rel @p1 .LBB1_3-.Ltmp3, $4  }
0x3c: {  	v0 =	vld [tilespmem:s21+$0x0];
	[tilespmem:s18+$0x0 ss:$0x81] =	vst.msk $0xffff, v1  }
0x3d: {  	s18 =	sshra.s32 s22, $0x2;
	v1 =	vld [tilespmem:s21+$0xFFFFFFE0]  }
0x3e: {  	s18 =	sadd.s32 s18, s19  }
0x3f: {  	s21 =	sadd.s32 $0x40, s21;
	[tilespmem:s18+$0x1830 ss:$0x81] =	vst.msk $0xffff, v3  }
.Ltmp4:
0x40: {  	_ = 	snop;
	(pc) =	sbr.rel .LBB1_4-.Ltmp4, $1  }
0x41: {  	_ =	sdelay $0x3  }
.LBB1_6:
0x42: {  	_ =	sfence.sel $0x180000  }
0x43: {  	s1 =	simm.s32 $0x1;
	[bflag:$0x0] =	sbarrier.arrive $0xFFFF  }
0x44: {  	s31 =	simm.s32 $0x2;
	[sflag:s1] =	ssyncpa.u1 $0x1  }
0x45: {  	[sflag:s31] =	ssyncpa.u1 $0x1  }
0x46: {  	p0 =	sne.s32 s0, $0x0;
	_ =	strace $0x90000047  }
0x47: {  	s0 =	sadd.s32 @!p0 $0x100000, s3;
	[bflag:$0x2] =	sbarrier.arrive $0xFFFF  }
0x48: {  	[sflag:s0] =	ssyncadd.tile.s32 @!p0 $0x1;
	_ =	shalt  }
.Lfunc_end1:
_tile_overlayer_lowered:
.L_overlay_start_2:
0x49: {  	(tag) =	ssettag $0x2  }
0x4a: {  	s0 =	rddreg [dreg:$0x0];
	s2 =	stileid.u32  }
0x4b: {  	s1 =	rddreg [dreg:$0x1];
	p0 =	sne.s32 s2, $0x0  }
0x4c: {  	s3 =	rddreg [dreg:$0x2];
	[bflag:$0x3] =	sbarrier.arrive $0xFFFF;
	s2 =	simm.s32 @!p0 $0x1C01  }
0x4d: {  	[timem:s3], [sflag:s2] =	dma.local @!p0 [hbm:s0], s1  }
0x4e: {  	s0 =	simm.s32 @!p0 $0x1  }
0x4f: {  	_ =	swait.ge @!p0 [sflag:s0], s1  }
0x50: {  	s1 =	ssub.s32 @!p0 $0x0, s1;
	[sflag:s0] =	ssyncset.done @!p0 $0x0  }
0x51: {  	[sflag:s0] =	ssyncadd.s32 @!p0 s1  }
0x52: {  	[bflag:$0x3] =	sbarrier.arrive $0xFFFF  }
0x53: {  	_ =	shalt  }

// kernel: sparse-core-data-format-call.cloned.1.call-start
scs
called_computation.2_lowered:
.L_overlay_start_0:
0x0: {  	s1 =	sld [smem:$0x3FD9]  }
0x1: {  	s2 =	sld [smem:$0x3FFE];
	_ =	sdelay $0x1  }
0x2: {  	s3 =	srdreg.scid  }
0x3: {  	s0 =	sand.u32 $0x1, s3  }
0x4: {  	s17 =	sshll.u32 s0, $0xA;
	s1 =	sadd.s32 s2, s1  }
0x5: {  	s1 =	sadd.s32 s1, s17  }
0x6: {  	[smem:$0x3FAF] =	sst s1  }
0x7: {  	_ = 	snop  }
0x8: {  	(tm) =	ssettm $0x1  }
0x9: {  	s18 =	sld [smem:$0x3FFB];
	_ =	sdelay $0x3  }
0xa: {  	_ =	strace s18  }
0xb: {  	s1 =	sld [smem:$0x3FFC];
	_ =	sdelay $0x3  }
0xc: {  	_ =	strace s1  }
0xd: {  	s1 =	sld [smem:$0x3FFD];
	_ =	sdelay $0x3  }
0xe: {  	_ =	strace s1  }
0xf: {  	_ =	strace $0x8FFFFFFF  }
0x10: {  	s19 =	sld [smem:$0x3FDB];
	_ =	sdelay $0x1  }
0x11: {  	s20 =	simm.s32 $_scs_section_size  }
0x12: {  	s4 =	simm.s32 $_size__tile_overlayer_lowered;
	s5 =	simm.s32 $_tile_overlayer_lowered  }
0x13: {  	s23 =	simm.s32 $0x1BFF;
	s22 =	sshll.u32 s5, $0x1;
	s1 =	sadd.s32 s20, s19  }
0x14: {  	s6 =	simm.s32 $0x0;
	s21 =	sshll.u32 s4, $0x1;
	s4 =	sadd.s32 s22, s1  }
0x15: {  	[timem:s6], [sflag:s23] =	dma.local [hbm:s4], s21  }
0x16: {  	_ =	swait.ge [sflag:s23], s21  }
0x17: {  	s2 =	ssub.s32 $0x0, s21;
	[sflag:s23] =	ssyncset.done $0x0  }
0x18: {  	[sflag:s23] =	ssyncadd.s32 s2;
	_ =	sdelay $0x1  }
0x19: {  	s24 =	simm.s32 $0x1B8B  }
0x1a: {  	_ =	swait.ge [sflag:s24], $0x1  }
0x1b: {  	[sflag:s24] =	ssyncset.done $0x0  }
0x1c: {  	s26 =	simm.s32 $0x1B8E;
	s25 =	sld [smem:$0x3FFE];
	[sflag:s24] =	ssyncadd.s32 $0xFFFFFFFF  }
0x1d: {  	s27 =	simm.s32 $execute0_lowered;
	[smem:$0x3FD2] =	sst s26  }
0x1e: {  	s4 =	sshll.u32 s27, $0x1;
	_ =	strace $0x80000049;
	[dreg:$0x1] =	wrdreg $0xFFFFFFFF  }
0x1f: {  	s28 =	simm.s32 $_size_execute0_lowered;
	s1 =	sadd.s32 s1, s4;
	[dreg:$0x0] =	wrdreg $0x0  }
0x20: {  	s4 =	sshll.u32 s28, $0x1;
	[dreg:$0x2] =	wrdreg s1  }
0x21: {  	[dreg:$0x3] =	wrdreg s4  }
0x22: {  	[dreg:$0x4] =	wrdreg $0xC0  }
0x23: {  	_ =	task [dreg:s6], $0x5FFFF  }
0x24: {  	[dreg:$0x1] =	wrdreg $0xFFFFFFFF  }
0x25: {  	[dreg:$0x0] =	wrdreg $0x60  }
0x26: {  	[dreg:$0x2] =	wrdreg s25  }
0x27: {  	[dreg:$0x3] =	wrdreg $0x9  }
0x28: {  	_ =	task.clear_ibuf [dreg:s6], $0x4FFFF;
	_ =	strace $0x90000049  }
0x29: {  	s29 =	simm.s32 $0x9;
	_ =	strace $0x8000004B  }
0x2a: {  	_ =	swait.ge [sflag:s29], $0x1  }
0x2b: {  	[sflag:s29] =	ssyncadd.s32 $0xFFFFFFFF  }
0x2c: {  	_ =	strace $0x9000004B  }
0x2d: {  	_ =	sfence  }
0x2e: {  	s30 =	sld [smem:$0x0];
	_ =	sdelay $0x2  }
0x2f: {  	s31 =	sshll.u32 s3, $0xD;
	s3 =	sshrl.u32 s3, $0x2  }
0x30: {  	s2 =	sand.u32 $0x4000, s31;
	s1 =	sadd.s32 s3, s30  }
0x31: {  	s0 =	sor.u32 s2, s0;
	s1 =	sshll.u32 s1, $0x11  }
0x32: {  	s0 =	sor.u32 s1, s0  }
0x33: {  	s0 =	sadd.s32 $0x8F2B, s0  }
0x34: {  	[sflag:s0] =	ssyncadd.remote.s32 $0x1  }
0x35: {  	_ =	sfence.sel $0xFFFF  }
0x36: {  	[dreg:$0x0] =	wrdreg $0xFFFFFFFF;
	(pc) =	sbr.abs _section_cstart, $3  }
0x37: {  	[dreg:$0x1] =	wrdreg $0xFFFFFFFF  }
0x38: {  	_ =	task.clear_ibuf [dreg:s6], $0x2FFFF;
	_ =	strace $0x9FFFFFFF  }
0x39: {  	(tm) =	ssettm $0x7FFFFFFF  }
tec
execute0_lowered:
.L_overlay_start_1:
0x0: {  	(tag) =	ssettag $0x1  }
0x1: {  	s0 =	stileid.u32;
	s1 =	srdreg.scid  }
0x2: {  	s2 =	sshll.u32 s0, $0x6;
	s1 =	sshll.u32 s1, $0xA  }
0x3: {  	s1 =	sor.u32 s2, s1  }
0x4: {  	s7 =	rddreg [dreg:$0x0];
	s1 =	sand.u32 $0x780, s1  }
0x5: {  	s8 =	simm.s32 $0x2;
	s2 =	sand.u32 $0x1, s0;
	s3 =	ssub.s32 $0x1000, s1  }
0x6: {  	s14 =	simm.s32 $0x0;
	s4 =	ssub.s32 $0x2, s2;
	s5 =	sand.u32 $0x780, s3  }
0x7: {  	s6 =	sshrl.u32 s4, $0x1;
	p0 =	sne.s32 s5, $0x0;
	s5 =	simm.s32 $0x1  }
0x8: {  	s4 =	sand.u32 $0x1, s4;
	s3 =	sshrl.u32 s3, $0xB;
	s5 =	simm.s32 @!p0 $0x0  }
0x9: {  	s9 =	simm.s32 $0x8000;
	s4 =	sadd.s32 s4, s6;
	s5 =	sadd.s32 s5, s3  }
0xa: {  	s15 =	simm.s32 $0x0;
	s16 =	simm.s32 $0x0;
	s6 =	smul.u32 s5, s4  }
.Ltmp0:
0xb: {  	s10 =	simm.s32 $0x0;
	s13 =	simm.s32 $0x0;
	(pc) =	sbr.rel .LBB1_1-.Ltmp0, $4  }
0xc: {  	s12 =	smov.u32 s2;
	s11 =	smov.u32 s1;
	s3 =	rddreg [dreg:$0x1]  }
0xd: {  	_ =	strace $0x8000004A;
	s5 =	simm.s32 $0x1;
	s6 =	smul.u32 $0x14, s6  }
0xe: {  	p0 =	por $0x0, $0x0;
	s4 =	sadd.s32 $0x291600, s7;
	[sflag:s5] =	ssyncpa.u1 $0x0  }
0xf: {  	s7 =	sadd.s32 $0x10200, s7;
	[sflag:s8] =	ssyncpa.u1 $0x0;
	s8 =	sor.u32 $0x1, s6  }
.LBB1_4:
0x10: {  	s16 =	smul.u32 $0xA0000, s16  }
0x11: {  	s19 =	sshll.u32 s15, $0x3;
	s20 =	sand.u32 $0x78, s15;
	s30 =	sand.u32 $0x7E00, s15  }
0x12: {  	s14 =	sshll.u32 s14, $0xF;
	s19 =	sand.u32 $0xC00, s19;
	s16 =	sadd.s32 s7, s16  }
0x13: {  	[tilespmem:s18+$0x810 ss:$0x81] =	vst.msk $0xffff, v2;
	s31 =	sand.u32 $0x7, s15;
	s19 =	sor.u32 s20, s19;
	s16 =	sadd.s32 s30, s16  }
0x14: {  	[tilespmem:s18+$0x1020 ss:$0x81] =	vst.msk $0xffff, v0;
	s15 =	sshll.u32 s31, $0x12;
	s19 =	sshrl.u32 s19, $0x3;
	s14 =	sadd.s32 s14, s16  }
0x15: {  	[tilespmem:s18+$0x0 ss:$0x81] =	vst.msk $0xffff, v1;
	s15 =	sor.u32 $0x400, s15;
	s14 =	sadd.s32 s19, s14  }
0x16: {  	[hbm4b:s14+s15] =	stream.strided.scatter [tilespmem:s17], [sflag:$0x2], $0x2000, s9, s15, $0x20;
	[tilespmem:$0x8080] =	vst v63  }
.LBB1_5:
0x17: {  	s17 =	sadd.s32 $0x1, s10  }
0x18: {  	s14 =	sadd.s32 $0x800, s11;
	s18 =	smov.u32 s11;
	p2 =	sgt.s32 s17, $0x13  }
0x19: {  	s18 =	smov.u32 @p2 s14  }
0x1a: {  	s20 =	smov.u32 s12;
	s14 =	sadd.s32 $0x2, s12;
	p3 =	sgt.s32 s18, $0xFFF  }
0x1b: {  	s20 =	smov.u32 @p3 s14  }
0x1c: {  	s17 =	simm.s32 @p2 $0x0;
	p2 =	sgt.s32 s20, $0x1  }
0x1d: {  	p1 =	slt.u32 s13, $0x2;
	s20 =	smov.u32 @p2 s2;
	p2 =	sne.s32 s13, s8  }
.Ltmp1:
0x1e: {  	s19 =	simm.s32 @!p1 $0x2;
	(pc) =	sbr.rel @!p2 .LBB1_6-.Ltmp1, $4  }
0x1f: {  	s15 =	smov.u32 s11;
	s16 =	smov.u32 s12;
	_ =	swait.ge @!p1 [sflag:s19], $0x2000  }
0x20: {  	p0 =	por !p0, !p0;
	[sflag:s19] =	ssyncset.done @!p1 $0x0;
	s18 =	smov.u32 @p3 s1  }
0x21: {  	s14 =	smov.u32 s10;
	[sflag:s19] =	ssyncadd.s32 @!p1 $0xFFFFE000;
	s10 =	smov.u32 s17  }
0x22: {  	s11 =	smov.u32 s18;
	s13 =	sadd.s32 $0x1, s13;
	s12 =	smov.u32 s20  }
.LBB1_1:
0x23: {  	p1 =	sge.u32 s13, s6  }
0x24: {  	s17 =	sand.u32 @!p1 $0x1FFFFFF, s10;
	s19 =	smul.u32 @!p1 $0x180000, s12  }
0x25: {  	s18 =	smulhi.u32 @!p1 $0xAAAAAAB, s17  }
0x26: {  	s21 =	smul.u32 @!p1 $0x180, s11  }
0x27: {  	s18 =	smul.u32 @!p1 $0x18, s18  }
0x28: {  	s31 =	sadd.s32 $0xFFFFFFFF, s13;
	s19 =	sadd.s32 @!p1 s4, s19  }
0x29: {  	s20 =	sxor.u32 @!p1 $0xFFFFFFFF, s13;
	s19 =	sadd.s32 @!p1 s21, s19;
	s17 =	ssub.s32 @!p1 s17, s18  }
0x2a: {  	s18 =	sshll.u32 @!p1 s20, $0xD;
	s20 =	simm.s32 @!p1 $0xC00;
	s17 =	sshll.u32 @!p1 s17, $0x4  }
0x2b: {  	s18 =	sand.u32 @!p1 $0x2000, s18;
	s17 =	sadd.s32 @!p1 s17, s19;
	s19 =	simm.s32 @!p1 $0x40  }
0x2c: {  	[tilespmem:s18], [sflag:$0x1] =	stream.strided.gather @!p1 [hbm4b:s17+s19], $0x2000, s20, s19, $0x38;
	[tilespmem:$0x8080] =	vst v63  }
0x2d: {  	p1 =	sge.u32 s31, s6  }
.Ltmp2:
0x2e: {  	_ = 	snop;
	(pc) =	sbr.rel @p1 .LBB1_5-.Ltmp2, $1  }
0x2f: {  	_ =	sdelay $0x3  }
0x30: {  	s17 =	simm.s32 $0x1  }
0x31: {  	_ =	swait.ge [sflag:s5], $0x2000;
	s17 =	simm.s32 @!p0 $0x0  }
0x32: {  	[sflag:s5] =	ssyncset.done $0x0;
	s18 =	sshll.u32 s17, $0xD  }
0x33: {  	[sflag:s5] =	ssyncadd.s32 $0xFFFFE000;
	s21 =	sor.u32 $0x20, s18  }
0x34: {  	s17 =	smul.u32 $0x8100, s17;
	v3 =	vld [tilespmem:s21+$0x10]  }
0x35: {  	s30 =	sand.u32 $0x1, s13;
	v2 =	vld [tilespmem:s21+$0xFFFFFFF0]  }
0x36: {  	s18 =	smul.u32 $0x8100, s30;
	s17 =	sshrl.u32 s17, $0x2;
	v0 =	vld [tilespmem:s21+$0x0]  }
0x37: {  	v1 =	vld [tilespmem:s21+$0xFFFFFFE0];
	s19 =	sor.u32 $0x4000, s17  }
0x38: {  	s31 =	sshrl.u32 s18, $0x2;
	s18 =	sadd.s32 $0x0, s19  }
0x39: {  	s20 =	simm.s32 $0x4;
	s21 =	sadd.s32 $0x40, s21;
	s17 =	sor.u32 $0x4000, s31;
	[tilespmem:s18+$0x1830 ss:$0x81] =	vst.msk $0xffff, v3  }
.LBB1_3:
0x3a: {  	v3 =	vld [tilespmem:s21+$0x10];
	p1 =	sne.s32 s20, $0x1FC;
	[tilespmem:s18+$0x810 ss:$0x81] =	vst.msk $0xffff, v2;
	s22 =	smov.u32 s20;
	s20 =	sadd.s32 $0x4, s20  }
.Ltmp3:
0x3b: {  	v2 =	vld [tilespmem:s21+$0xFFFFFFF0];
	[tilespmem:s18+$0x1020 ss:$0x81] =	vst.msk $0xffff, v0;
	(pc) =	sbr.rel @p1 .LBB1_3-.Ltmp3, $4  }
0x3c: {  	v0 =	vld [tilespmem:s21+$0x0];
	[tilespmem:s18+$0x0 ss:$0x81] =	vst.msk $0xffff, v1  }
0x3d: {  	s18 =	sshra.s32 s22, $0x2;
	v1 =	vld [tilespmem:s21+$0xFFFFFFE0]  }
0x3e: {  	s18 =	sadd.s32 s18, s19  }
0x3f: {  	s21 =	sadd.s32 $0x40, s21;
	[tilespmem:s18+$0x1830 ss:$0x81] =	vst.msk $0xffff, v3  }
.Ltmp4:
0x40: {  	_ = 	snop;
	(pc) =	sbr.rel .LBB1_4-.Ltmp4, $1  }
0x41: {  	_ =	sdelay $0x3  }
.LBB1_6:
0x42: {  	_ =	sfence.sel $0x180000  }
0x43: {  	s1 =	simm.s32 $0x1;
	[bflag:$0x0] =	sbarrier.arrive $0xFFFF  }
0x44: {  	s31 =	simm.s32 $0x2;
	[sflag:s1] =	ssyncpa.u1 $0x1  }
0x45: {  	[sflag:s31] =	ssyncpa.u1 $0x1  }
0x46: {  	p0 =	sne.s32 s0, $0x0;
	_ =	strace $0x9000004A  }
0x47: {  	s0 =	sadd.s32 @!p0 $0x100000, s3;
	[bflag:$0x2] =	sbarrier.arrive $0xFFFF  }
0x48: {  	[sflag:s0] =	ssyncadd.tile.s32 @!p0 $0x1;
	_ =	shalt  }
.Lfunc_end1:
_tile_overlayer_lowered:
.L_overlay_start_2:
0x49: {  	(tag) =	ssettag $0x2  }
0x4a: {  	s0 =	rddreg [dreg:$0x0];
	s2 =	stileid.u32  }
0x4b: {  	s1 =	rddreg [dreg:$0x1];
	p0 =	sne.s32 s2, $0x0  }
0x4c: {  	s3 =	rddreg [dreg:$0x2];
	[bflag:$0x3] =	sbarrier.arrive $0xFFFF;
	s2 =	simm.s32 @!p0 $0x1C01  }
0x4d: {  	[timem:s3], [sflag:s2] =	dma.local @!p0 [hbm:s0], s1  }
0x4e: {  	s0 =	simm.s32 @!p0 $0x1  }
0x4f: {  	_ =	swait.ge @!p0 [sflag:s0], s1  }
0x50: {  	s1 =	ssub.s32 @!p0 $0x0, s1;
	[sflag:s0] =	ssyncset.done @!p0 $0x0  }
0x51: {  	[sflag:s0] =	ssyncadd.s32 @!p0 s1  }
0x52: {  	[bflag:$0x3] =	sbarrier.arrive $0xFFFF  }
0x53: {  	_ =	shalt  }

</sc_bundles>
